<compile_context>
chip_gen: v7x
topology: tpu7x:2x2x1
jax: 0.10.2.dev20260603
libtpu: 0.0.44.dev20260713+nightly
codegen_flags: <defaults>
</compile_context>

<pallas_src>
import functools

import jax
import jax.numpy as jnp
from jax import lax
from jax.experimental import pallas as pl
from jax.experimental.pallas import tpu as pltpu
from jax.experimental.pallas import tpu_sc as plsc

NC = 2
NS = 16
L = 16

CHUNK = 128


def _sc_scatter(n_nodes, d, nchunk):
    rows_per_tile = n_nodes // NS
    ngroups = d // L
    blk = -(-rows_per_tile // 8) * 8

    mesh = plsc.VectorSubcoreMesh(core_axis_name="c", subcore_axis_name="s")

    @functools.partial(
        pl.kernel,
        out_type=jax.ShapeDtypeStruct((NC, n_nodes, d), jnp.float32),
        mesh=mesh,
        scratch_types=dict(
            ibuf=pltpu.VMEM((3, CHUNK), jnp.int32),
            rows=pltpu.VMEM((CHUNK, d), jnp.float32),
            semg0=pltpu.SemaphoreType.DMA,
            acc=pltpu.VMEM_SHARED((n_nodes, d), jnp.float32),
        ),
    )
    def sc_kernel(x_hbm, idx_hbm, out_hbm, ibuf, rows, semg0, acc):
        c = lax.axis_index("c")
        s = lax.axis_index("s")
        wid = c * NS + s

        def _zero_row(i, _):
            for g in range(ngroups):
                rows[i, pl.ds(g * L, L)] = jnp.zeros((L,), jnp.float32)
            return 0

        lax.fori_loop(0, CHUNK, _zero_row, 0)
        a = jnp.minimum((s * rows_per_tile) // 8 * 8, n_nodes - blk)
        off = 0
        for h in [CHUNK] * (blk // CHUNK) + ([blk % CHUNK] if blk % CHUNK else []):
            pltpu.sync_copy(rows.at[pl.ds(0, h)], acc.at[pl.ds(a + off, h)])
            off += h
        plsc.subcore_barrier()

        def _chunk(j, _):
            pltpu.sync_copy(idx_hbm.at[wid, j], ibuf)
            pltpu.async_copy(x_hbm.at[ibuf.at[0]], rows, semg0).wait()

            def _scale16(t, _):
                wv = lax.bitcast_convert_type(
                    ibuf[2, pl.ds(t * L, L)], jnp.float32)
                for ee in range(L):
                    wb = jnp.broadcast_to(wv[ee], (L,))
                    e = t * L + ee
                    for g in range(ngroups):
                        rows[e, pl.ds(g * L, L)] = rows[e, pl.ds(g * L, L)] * wb
                return 0

            lax.fori_loop(0, CHUNK // L, _scale16, 0)

            pltpu.sync_copy(rows, acc.at[ibuf.at[1]], add=True)
            return 0

        lax.fori_loop(0, nchunk, _chunk, 0)

        plsc.subcore_barrier()
        pltpu.sync_copy(acc.at[pl.ds(a, blk)],
                        out_hbm.at[c].at[pl.ds(a, blk)])

    return sc_kernel


def _mm_body(a_ref, w_ref, o_ref):
    s = a_ref[0] + a_ref[1]
    o_ref[...] = jnp.dot(s, w_ref[...], preferred_element_type=jnp.float32)


def kernel(x, edge_index, edge_weight, W):
    n, d = x.shape
    e = edge_weight.shape[0]
    nw = NC * NS

    per_w = -(-e // (nw * CHUNK)) * CHUNK
    e_pad = per_w * nw
    pad = e_pad - e
    nchunk = per_w // CHUNK
    src = jnp.pad(edge_index[0], (0, pad)).reshape(nw, nchunk, 1, CHUNK)
    dst = jnp.pad(edge_index[1], (0, pad)).reshape(nw, nchunk, 1, CHUNK)
    w_i = lax.bitcast_convert_type(jnp.pad(edge_weight, (0, pad)),
                                   jnp.int32).reshape(nw, nchunk, 1, CHUNK)
    idx = jnp.concatenate([src, dst, w_i], axis=2)

    partial = _sc_scatter(n, d, nchunk)(x, idx)

    rows_blk = 1000
    out = pl.pallas_call(
        _mm_body,
        grid=(n // rows_blk,),
        in_specs=[
            pl.BlockSpec((NC, rows_blk, d), lambda i: (0, i, 0)),
            pl.BlockSpec((d, d), lambda i: (0, 0)),
        ],
        out_specs=pl.BlockSpec((rows_blk, d), lambda i: (i, 0)),
        out_shape=jax.ShapeDtypeStruct((n, d), jnp.float32),
    )(partial, W)
    return out

# --- scband reference (transcript-rebuilt; emitter-appended) ---
"""Pipeline reference for scband-graph-convolution-30073361007326 (READ-ONLY COPY).

The authoritative reference and input builder live on the scoring server;
editing this copy changes nothing except your own understanding.
"""

import jax, jax.numpy as jnp
import numpy as np

N = 10000
E = 320000
D_IN = 128
D_OUT = 128


def setup_inputs(seed: int = 0) -> dict:
    key = jax.random.key(seed)
    k1, k2, k3, k4 = jax.random.split(key, 4)
    x = jax.random.normal(k1, (N, D_IN), dtype=jnp.float32)
    edge_index = jax.random.randint(k2, (2, E), 0, N, dtype=jnp.int32)
    edge_weight = jax.random.uniform(k3, (E,), dtype=jnp.float32)
    # Glorot-uniform weight, shape (support * input_dim, output_dim) with support=1
    limit = np.sqrt(6.0 / (D_IN + D_OUT)).astype(np.float32)
    W = jax.random.uniform(k4, (D_IN, D_OUT), dtype=jnp.float32, minval=-limit, maxval=limit)
    return {"x": x, "edge_index": edge_index, "edge_weight": edge_weight, "W": W}


def reference(x, edge_index, edge_weight, W):
    # GraphConvolution (relational-gcn style) with support=1, featureless=False,
    # num_bases=-1, bias=False, dropout=0, linear activation:
    #   supports = A @ X   (A given in COO form: edge_index, edge_weight)
    #   output   = supports @ W
    src = edge_index[0]
    dst = edge_index[1]
    msgs = jnp.take(x, src, axis=0) * edge_weight[:, None]          # gather
    supports = jnp.zeros((x.shape[0], x.shape[1]), x.dtype).at[dst].add(msgs)  # scatter-add (A @ X)
    output = supports @ W
    return output

if __name__ == "__main__":
    import jax
    _d = setup_inputs()
    print(jax.jit(kernel)(*tuple(_d.values())))

</pallas_src>

<mosaic_0001>
#map = affine_map<(d0, d1) -> (0, 0)>
#map1 = affine_map<(d0, d1) -> (0, 0, 0, 0)>
#map2 = affine_map<(d0, d1) -> (0, 0, 0)>
module attributes {stable_mosaic.version = 14 : i64} {
  func.func @sc_kernel(%arg0: i32, %arg1: i32, %arg2: memref<10000x128xf32, #tpu.memory_space<hbm>>, %arg3: memref<32x79x3x128xi32, #tpu.memory_space<hbm>>, %arg4: memref<2x10000x128xf32, #tpu.memory_space<hbm>>, %arg5: memref<10000x128xf32, #tpu.memory_space<vmem_shared>>, %arg6: memref<3x128xi32, #tpu.memory_space<vmem>>, %arg7: memref<128x128xf32, #tpu.memory_space<vmem>>, %arg8: memref<!tpu.dma_semaphore, #tpu.memory_space<semaphore_mem>>) attributes {dimension_semantics = [#tpu.dimension_semantics<core_parallel>, #tpu.dimension_semantics<subcore_parallel>], iteration_bounds = array<i64: 2, 16>, scalar_prefetch = 0 : i64, scratch_operands = 4 : i64, tpu.core_type = #tpu.core_type<sc_vector_subcore>, window_params = [{transform_indices = #map}, {transform_indices = #map1}, {transform_indices = #map2}]} {
    %mul3A = arith.constant 16 : i32
    %mul3A_0 = arith.muli %arg0, %mul3A : i32
    %add3A = arith.addi %mul3A_0, %arg1 : i32
    %scan3A = arith.constant 0 : i32
    %scan3A_1 = arith.constant 0 : i32
    %scan3A_2 = arith.constant 128 : i32
    %scan3A_3 = arith.addi %scan3A_1, %scan3A_2 : i32
    %scan3A_4 = arith.constant 1 : i32
    %scan3A_5 = scf.for %scan3A_46 = %scan3A_1 to %scan3A_3 step %scan3A_4 iter_args(%scan3A_47 = %scan3A) -> (i32)  : i32 {
      %broadcast_in_dim3A = arith.constant 0.000000e+00 : f32
      %broadcast_in_dim3A_48 = vector.broadcast %broadcast_in_dim3A : f32 to vector<16xf32>
      %swap3A = arith.index_cast %scan3A_46 : i32 to index
      %swap3A_49 = arith.constant 0 : index
      %swap3A_50 = tpu.vector_load %arg7[%swap3A, %swap3A_49] {strides = array<i32>} : memref<128x128xf32, #tpu.memory_space<vmem>>, vector<1x16xf32>,
      %swap3A_51 = vector.shape_cast %swap3A_50 : vector<1x16xf32> to vector<16xf32>
      %swap3A_52 = vector.shape_cast %broadcast_in_dim3A_48 : vector<16xf32> to vector<1x16xf32>
      tpu.vector_store %arg7[%swap3A, %swap3A_49], %swap3A_52 {strides = array<i32>} : memref<128x128xf32, #tpu.memory_space<vmem>>, vector<1x16xf32>,
      %broadcast_in_dim3A_53 = arith.constant 0.000000e+00 : f32
      %broadcast_in_dim3A_54 = vector.broadcast %broadcast_in_dim3A_53 : f32 to vector<16xf32>
      %swap3A_55 = arith.index_cast %scan3A_46 : i32 to index
      %swap3A_56 = arith.constant 16 : index
      %swap3A_57 = tpu.vector_load %arg7[%swap3A_55, %swap3A_56] {strides = array<i32>} : memref<128x128xf32, #tpu.memory_space<vmem>>, vector<1x16xf32>,
      %swap3A_58 = vector.shape_cast %swap3A_57 : vector<1x16xf32> to vector<16xf32>
      %swap3A_59 = vector.shape_cast %broadcast_in_dim3A_54 : vector<16xf32> to vector<1x16xf32>
      tpu.vector_store %arg7[%swap3A_55, %swap3A_56], %swap3A_59 {strides = array<i32>} : memref<128x128xf32, #tpu.memory_space<vmem>>, vector<1x16xf32>,
      %broadcast_in_dim3A_60 = arith.constant 0.000000e+00 : f32
      %broadcast_in_dim3A_61 = vector.broadcast %broadcast_in_dim3A_60 : f32 to vector<16xf32>
      %swap3A_62 = arith.index_cast %scan3A_46 : i32 to index
      %swap3A_63 = arith.constant 32 : index
      %swap3A_64 = tpu.vector_load %arg7[%swap3A_62, %swap3A_63] {strides = array<i32>} : memref<128x128xf32, #tpu.memory_space<vmem>>, vector<1x16xf32>,
      %swap3A_65 = vector.shape_cast %swap3A_64 : vector<1x16xf32> to vector<16xf32>
      %swap3A_66 = vector.shape_cast %broadcast_in_dim3A_61 : vector<16xf32> to vector<1x16xf32>
      tpu.vector_store %arg7[%swap3A_62, %swap3A_63], %swap3A_66 {strides = array<i32>} : memref<128x128xf32, #tpu.memory_space<vmem>>, vector<1x16xf32>,
      %broadcast_in_dim3A_67 = arith.constant 0.000000e+00 : f32
      %broadcast_in_dim3A_68 = vector.broadcast %broadcast_in_dim3A_67 : f32 to vector<16xf32>
      %swap3A_69 = arith.index_cast %scan3A_46 : i32 to index
      %swap3A_70 = arith.constant 48 : index
      %swap3A_71 = tpu.vector_load %arg7[%swap3A_69, %swap3A_70] {strides = array<i32>} : memref<128x128xf32, #tpu.memory_space<vmem>>, vector<1x16xf32>,
      %swap3A_72 = vector.shape_cast %swap3A_71 : vector<1x16xf32> to vector<16xf32>
      %swap3A_73 = vector.shape_cast %broadcast_in_dim3A_68 : vector<16xf32> to vector<1x16xf32>
      tpu.vector_store %arg7[%swap3A_69, %swap3A_70], %swap3A_73 {strides = array<i32>} : memref<128x128xf32, #tpu.memory_space<vmem>>, vector<1x16xf32>,
      %broadcast_in_dim3A_74 = arith.constant 0.000000e+00 : f32
      %broadcast_in_dim3A_75 = vector.broadcast %broadcast_in_dim3A_74 : f32 to vector<16xf32>
      %swap3A_76 = arith.index_cast %scan3A_46 : i32 to index
      %swap3A_77 = arith.constant 64 : index
      %swap3A_78 = tpu.vector_load %arg7[%swap3A_76, %swap3A_77] {strides = array<i32>} : memref<128x128xf32, #tpu.memory_space<vmem>>, vector<1x16xf32>,
      %swap3A_79 = vector.shape_cast %swap3A_78 : vector<1x16xf32> to vector<16xf32>
      %swap3A_80 = vector.shape_cast %broadcast_in_dim3A_75 : vector<16xf32> to vector<1x16xf32>
      tpu.vector_store %arg7[%swap3A_76, %swap3A_77], %swap3A_80 {strides = array<i32>} : memref<128x128xf32, #tpu.memory_space<vmem>>, vector<1x16xf32>,
      %broadcast_in_dim3A_81 = arith.constant 0.000000e+00 : f32
      %broadcast_in_dim3A_82 = vector.broadcast %broadcast_in_dim3A_81 : f32 to vector<16xf32>
      %swap3A_83 = arith.index_cast %scan3A_46 : i32 to index
      %swap3A_84 = arith.constant 80 : index
      %swap3A_85 = tpu.vector_load %arg7[%swap3A_83, %swap3A_84] {strides = array<i32>} : memref<128x128xf32, #tpu.memory_space<vmem>>, vector<1x16xf32>,
      %swap3A_86 = vector.shape_cast %swap3A_85 : vector<1x16xf32> to vector<16xf32>
      %swap3A_87 = vector.shape_cast %broadcast_in_dim3A_82 : vector<16xf32> to vector<1x16xf32>
      tpu.vector_store %arg7[%swap3A_83, %swap3A_84], %swap3A_87 {strides = array<i32>} : memref<128x128xf32, #tpu.memory_space<vmem>>, vector<1x16xf32>,
      %broadcast_in_dim3A_88 = arith.constant 0.000000e+00 : f32
      %broadcast_in_dim3A_89 = vector.broadcast %broadcast_in_dim3A_88 : f32 to vector<16xf32>
      %swap3A_90 = arith.index_cast %scan3A_46 : i32 to index
      %swap3A_91 = arith.constant 96 : index
      %swap3A_92 = tpu.vector_load %arg7[%swap3A_90, %swap3A_91] {strides = array<i32>} : memref<128x128xf32, #tpu.memory_space<vmem>>, vector<1x16xf32>,
      %swap3A_93 = vector.shape_cast %swap3A_92 : vector<1x16xf32> to vector<16xf32>
      %swap3A_94 = vector.shape_cast %broadcast_in_dim3A_89 : vector<16xf32> to vector<1x16xf32>
      tpu.vector_store %arg7[%swap3A_90, %swap3A_91], %swap3A_94 {strides = array<i32>} : memref<128x128xf32, #tpu.memory_space<vmem>>, vector<1x16xf32>,
      %broadcast_in_dim3A_95 = arith.constant 0.000000e+00 : f32
      %broadcast_in_dim3A_96 = vector.broadcast %broadcast_in_dim3A_95 : f32 to vector<16xf32>
      %swap3A_97 = arith.index_cast %scan3A_46 : i32 to index
      %swap3A_98 = arith.constant 112 : index
      %swap3A_99 = tpu.vector_load %arg7[%swap3A_97, %swap3A_98] {strides = array<i32>} : memref<128x128xf32, #tpu.memory_space<vmem>>, vector<1x16xf32>,
      %swap3A_100 = vector.shape_cast %swap3A_99 : vector<1x16xf32> to vector<16xf32>
      %swap3A_101 = vector.shape_cast %broadcast_in_dim3A_96 : vector<16xf32> to vector<1x16xf32>
      tpu.vector_store %arg7[%swap3A_97, %swap3A_98], %swap3A_101 {strides = array<i32>} : memref<128x128xf32, #tpu.memory_space<vmem>>, vector<1x16xf32>,
      %scan3A_102 = arith.constant 0 : i32
      scf.yield %scan3A_102 : i32
    }
    %scan3A_6 = arith.constant 128 : i32
    %mul3A_7 = arith.constant 625 : i32
    %mul3A_8 = arith.muli %arg1, %mul3A_7 : i32
    %jit3A = arith.constant 8 : i32
    %div3A = arith.divsi %mul3A_8, %jit3A : i32
    %sign3A = arith.constant 0 : i32
    %sign3A_9 = arith.cmpi sgt, %mul3A_8, %sign3A : i32
    %sign3A_10 = arith.extui %sign3A_9 : i1 to i32
    %sign3A_11 = arith.constant 0 : i32
    %sign3A_12 = arith.cmpi slt, %mul3A_8, %sign3A_11 : i32
    %sign3A_13 = arith.extui %sign3A_12 : i1 to i32
    %sign3A_14 = arith.subi %sign3A_10, %sign3A_13 : i32
    %sign3A_15 = arith.constant 0 : i32
    %sign3A_16 = arith.cmpi sgt, %jit3A, %sign3A_15 : i32
    %sign3A_17 = arith.extui %sign3A_16 : i1 to i32
    %sign3A_18 = arith.constant 0 : i32
    %sign3A_19 = arith.cmpi slt, %jit3A, %sign3A_18 : i32
    %sign3A_20 = arith.extui %sign3A_19 : i1 to i32
    %sign3A_21 = arith.subi %sign3A_17, %sign3A_20 : i32
    %ne3A = arith.cmpi ne, %sign3A_14, %sign3A_21 : i32
    %rem3A = arith.remsi %mul3A_8, %jit3A : i32
    %ne3A_22 = arith.constant 0 : i32
    %ne3A_23 = arith.cmpi ne, %rem3A, %ne3A_22 : i32
    %and3A = arith.andi %ne3A, %ne3A_23 : i1
    %sub3A = arith.constant 1 : i32
    %sub3A_24 = arith.subi %div3A, %sub3A : i32
    %select_n3A = arith.select %and3A, %sub3A_24, %div3A : i32
    %mul3A_25 = arith.constant 8 : i32
    %mul3A_26 = arith.muli %select_n3A, %mul3A_25 : i32
    %min3A = arith.constant 9368 : i32
    %min3A_27 = arith.minsi %mul3A_26, %min3A : i32
    %add3A_28 = arith.constant 0 : i32
    %add3A_29 = arith.addi %min3A_27, %add3A_28 : i32
    "tpu.region"() ({
      %run_scoped3A = tpu.sem_alloc : memref<!tpu.dma_semaphore, #tpu.memory_space<semaphore_mem>>
      %dma_start3A = arith.constant 0 : i32
      %dma_start3A_46 = arith.constant 0 : i32
      %dma_start3A_47 = tpu.memref_slice %arg7[%dma_start3A, %dma_start3A_46] : memref<128x128xf32, #tpu.memory_space<vmem>> -> memref<128x128xf32, #tpu.memory_space<vmem>>
      %dma_start3A_48 = arith.constant 0 : i32
      %dma_start3A_49 = tpu.memref_slice %arg5[%add3A_29, %dma_start3A_48] : memref<10000x128xf32, #tpu.memory_space<vmem_shared>> -> memref<128x128xf32, #tpu.memory_space<vmem_shared>>
      %dma_start3A_50 = arith.constant 0 : i32
      %dma_start3A_51 = tpu.memref_slice %arg5[%add3A_29, %dma_start3A_50] : memref<10000x128xf32, #tpu.memory_space<vmem_shared>> -> memref<128x128xf32, #tpu.memory_space<vmem_shared>>
      %dma_start3A_52 = arith.constant 0 : i32
      %dma_start3A_53 = arith.constant 0 : i32
      %dma_start3A_54 = tpu.memref_slice %arg7[%dma_start3A_52, %dma_start3A_53] : memref<128x128xf32, #tpu.memory_space<vmem>> -> memref<128x128xf32, #tpu.memory_space<vmem>>
      tpu.enqueue_dma source(%dma_start3A_54 : memref<128x128xf32, #tpu.memory_space<vmem>>) target(%dma_start3A_51 : memref<128x128xf32, #tpu.memory_space<vmem_shared>>) target_semaphore(%run_scoped3A : memref<!tpu.dma_semaphore, #tpu.memory_space<semaphore_mem>>)
      %dma_wait3A = arith.constant 0 : i32
      %dma_wait3A_55 = arith.constant 0 : i32
      %dma_wait3A_56 = tpu.memref_slice %arg7[%dma_wait3A, %dma_wait3A_55] : memref<128x128xf32, #tpu.memory_space<vmem>> -> memref<128x128xf32, #tpu.memory_space<vmem>>
      %dma_wait3A_57 = arith.constant 0 : i32
      %dma_wait3A_58 = tpu.memref_slice %arg5[%add3A_29, %dma_wait3A_57] : memref<10000x128xf32, #tpu.memory_space<vmem_shared>> -> memref<128x128xf32, #tpu.memory_space<vmem_shared>>
      %dma_wait3A_59 = arith.constant 0 : i32
      %dma_wait3A_60 = tpu.memref_slice %arg5[%add3A_29, %dma_wait3A_59] : memref<10000x128xf32, #tpu.memory_space<vmem_shared>> -> memref<128x128xf32, #tpu.memory_space<vmem_shared>>
      %dma_wait3A_61 = arith.constant 0 : i32
      %dma_wait3A_62 = arith.constant 0 : i32
      %dma_wait3A_63 = tpu.memref_slice %arg7[%dma_wait3A_61, %dma_wait3A_62] : memref<128x128xf32, #tpu.memory_space<vmem>> -> memref<128x128xf32, #tpu.memory_space<vmem>>
      tpu.wait_dma2 semaphore(%run_scoped3A : memref<!tpu.dma_semaphore, #tpu.memory_space<semaphore_mem>>) src(%dma_wait3A_63 : memref<128x128xf32, #tpu.memory_space<vmem>>) dst(%dma_wait3A_60 : memref<128x128xf32, #tpu.memory_space<vmem_shared>>)
      tpu.yield
    }) : () -> ()
    %add3A_30 = arith.constant 128 : i32
    %add3A_31 = arith.addi %min3A_27, %add3A_30 : i32
    "tpu.region"() ({
      %run_scoped3A = tpu.sem_alloc : memref<!tpu.dma_semaphore, #tpu.memory_space<semaphore_mem>>
      %dma_start3A = arith.constant 0 : i32
      %dma_start3A_46 = arith.constant 0 : i32
      %dma_start3A_47 = tpu.memref_slice %arg7[%dma_start3A, %dma_start3A_46] : memref<128x128xf32, #tpu.memory_space<vmem>> -> memref<128x128xf32, #tpu.memory_space<vmem>>
      %dma_start3A_48 = arith.constant 0 : i32
      %dma_start3A_49 = tpu.memref_slice %arg5[%add3A_31, %dma_start3A_48] : memref<10000x128xf32, #tpu.memory_space<vmem_shared>> -> memref<128x128xf32, #tpu.memory_space<vmem_shared>>
      %dma_start3A_50 = arith.constant 0 : i32
      %dma_start3A_51 = tpu.memref_slice %arg5[%add3A_31, %dma_start3A_50] : memref<10000x128xf32, #tpu.memory_space<vmem_shared>> -> memref<128x128xf32, #tpu.memory_space<vmem_shared>>
      %dma_start3A_52 = arith.constant 0 : i32
      %dma_start3A_53 = arith.constant 0 : i32
      %dma_start3A_54 = tpu.memref_slice %arg7[%dma_start3A_52, %dma_start3A_53] : memref<128x128xf32, #tpu.memory_space<vmem>> -> memref<128x128xf32, #tpu.memory_space<vmem>>
      tpu.enqueue_dma source(%dma_start3A_54 : memref<128x128xf32, #tpu.memory_space<vmem>>) target(%dma_start3A_51 : memref<128x128xf32, #tpu.memory_space<vmem_shared>>) target_semaphore(%run_scoped3A : memref<!tpu.dma_semaphore, #tpu.memory_space<semaphore_mem>>)
      %dma_wait3A = arith.constant 0 : i32
      %dma_wait3A_55 = arith.constant 0 : i32
      %dma_wait3A_56 = tpu.memref_slice %arg7[%dma_wait3A, %dma_wait3A_55] : memref<128x128xf32, #tpu.memory_space<vmem>> -> memref<128x128xf32, #tpu.memory_space<vmem>>
      %dma_wait3A_57 = arith.constant 0 : i32
      %dma_wait3A_58 = tpu.memref_slice %arg5[%add3A_31, %dma_wait3A_57] : memref<10000x128xf32, #tpu.memory_space<vmem_shared>> -> memref<128x128xf32, #tpu.memory_space<vmem_shared>>
      %dma_wait3A_59 = arith.constant 0 : i32
      %dma_wait3A_60 = tpu.memref_slice %arg5[%add3A_31, %dma_wait3A_59] : memref<10000x128xf32, #tpu.memory_space<vmem_shared>> -> memref<128x128xf32, #tpu.memory_space<vmem_shared>>
      %dma_wait3A_61 = arith.constant 0 : i32
      %dma_wait3A_62 = arith.constant 0 : i32
      %dma_wait3A_63 = tpu.memref_slice %arg7[%dma_wait3A_61, %dma_wait3A_62] : memref<128x128xf32, #tpu.memory_space<vmem>> -> memref<128x128xf32, #tpu.memory_space<vmem>>
      tpu.wait_dma2 semaphore(%run_scoped3A : memref<!tpu.dma_semaphore, #tpu.memory_space<semaphore_mem>>) src(%dma_wait3A_63 : memref<128x128xf32, #tpu.memory_space<vmem>>) dst(%dma_wait3A_60 : memref<128x128xf32, #tpu.memory_space<vmem_shared>>)
      tpu.yield
    }) : () -> ()
    %add3A_32 = arith.constant 256 : i32
    %add3A_33 = arith.addi %min3A_27, %add3A_32 : i32
    "tpu.region"() ({
      %run_scoped3A = tpu.sem_alloc : memref<!tpu.dma_semaphore, #tpu.memory_space<semaphore_mem>>
      %dma_start3A = arith.constant 0 : i32
      %dma_start3A_46 = arith.constant 0 : i32
      %dma_start3A_47 = tpu.memref_slice %arg7[%dma_start3A, %dma_start3A_46] : memref<128x128xf32, #tpu.memory_space<vmem>> -> memref<128x128xf32, #tpu.memory_space<vmem>>
      %dma_start3A_48 = arith.constant 0 : i32
      %dma_start3A_49 = tpu.memref_slice %arg5[%add3A_33, %dma_start3A_48] : memref<10000x128xf32, #tpu.memory_space<vmem_shared>> -> memref<128x128xf32, #tpu.memory_space<vmem_shared>>
      %dma_start3A_50 = arith.constant 0 : i32
      %dma_start3A_51 = tpu.memref_slice %arg5[%add3A_33, %dma_start3A_50] : memref<10000x128xf32, #tpu.memory_space<vmem_shared>> -> memref<128x128xf32, #tpu.memory_space<vmem_shared>>
      %dma_start3A_52 = arith.constant 0 : i32
      %dma_start3A_53 = arith.constant 0 : i32
      %dma_start3A_54 = tpu.memref_slice %arg7[%dma_start3A_52, %dma_start3A_53] : memref<128x128xf32, #tpu.memory_space<vmem>> -> memref<128x128xf32, #tpu.memory_space<vmem>>
      tpu.enqueue_dma source(%dma_start3A_54 : memref<128x128xf32, #tpu.memory_space<vmem>>) target(%dma_start3A_51 : memref<128x128xf32, #tpu.memory_space<vmem_shared>>) target_semaphore(%run_scoped3A : memref<!tpu.dma_semaphore, #tpu.memory_space<semaphore_mem>>)
      %dma_wait3A = arith.constant 0 : i32
      %dma_wait3A_55 = arith.constant 0 : i32
      %dma_wait3A_56 = tpu.memref_slice %arg7[%dma_wait3A, %dma_wait3A_55] : memref<128x128xf32, #tpu.memory_space<vmem>> -> memref<128x128xf32, #tpu.memory_space<vmem>>
      %dma_wait3A_57 = arith.constant 0 : i32
      %dma_wait3A_58 = tpu.memref_slice %arg5[%add3A_33, %dma_wait3A_57] : memref<10000x128xf32, #tpu.memory_space<vmem_shared>> -> memref<128x128xf32, #tpu.memory_space<vmem_shared>>
      %dma_wait3A_59 = arith.constant 0 : i32
      %dma_wait3A_60 = tpu.memref_slice %arg5[%add3A_33, %dma_wait3A_59] : memref<10000x128xf32, #tpu.memory_space<vmem_shared>> -> memref<128x128xf32, #tpu.memory_space<vmem_shared>>
      %dma_wait3A_61 = arith.constant 0 : i32
      %dma_wait3A_62 = arith.constant 0 : i32
      %dma_wait3A_63 = tpu.memref_slice %arg7[%dma_wait3A_61, %dma_wait3A_62] : memref<128x128xf32, #tpu.memory_space<vmem>> -> memref<128x128xf32, #tpu.memory_space<vmem>>
      tpu.wait_dma2 semaphore(%run_scoped3A : memref<!tpu.dma_semaphore, #tpu.memory_space<semaphore_mem>>) src(%dma_wait3A_63 : memref<128x128xf32, #tpu.memory_space<vmem>>) dst(%dma_wait3A_60 : memref<128x128xf32, #tpu.memory_space<vmem_shared>>)
      tpu.yield
    }) : () -> ()
    %add3A_34 = arith.constant 384 : i32
    %add3A_35 = arith.addi %min3A_27, %add3A_34 : i32
    "tpu.region"() ({
      %run_scoped3A = tpu.sem_alloc : memref<!tpu.dma_semaphore, #tpu.memory_space<semaphore_mem>>
      %dma_start3A = arith.constant 0 : i32
      %dma_start3A_46 = arith.constant 0 : i32
      %dma_start3A_47 = tpu.memref_slice %arg7[%dma_start3A, %dma_start3A_46] : memref<128x128xf32, #tpu.memory_space<vmem>> -> memref<128x128xf32, #tpu.memory_space<vmem>>
      %dma_start3A_48 = arith.constant 0 : i32
      %dma_start3A_49 = tpu.memref_slice %arg5[%add3A_35, %dma_start3A_48] : memref<10000x128xf32, #tpu.memory_space<vmem_shared>> -> memref<128x128xf32, #tpu.memory_space<vmem_shared>>
      %dma_start3A_50 = arith.constant 0 : i32
      %dma_start3A_51 = tpu.memref_slice %arg5[%add3A_35, %dma_start3A_50] : memref<10000x128xf32, #tpu.memory_space<vmem_shared>> -> memref<128x128xf32, #tpu.memory_space<vmem_shared>>
      %dma_start3A_52 = arith.constant 0 : i32
      %dma_start3A_53 = arith.constant 0 : i32
      %dma_start3A_54 = tpu.memref_slice %arg7[%dma_start3A_52, %dma_start3A_53] : memref<128x128xf32, #tpu.memory_space<vmem>> -> memref<128x128xf32, #tpu.memory_space<vmem>>
      tpu.enqueue_dma source(%dma_start3A_54 : memref<128x128xf32, #tpu.memory_space<vmem>>) target(%dma_start3A_51 : memref<128x128xf32, #tpu.memory_space<vmem_shared>>) target_semaphore(%run_scoped3A : memref<!tpu.dma_semaphore, #tpu.memory_space<semaphore_mem>>)
      %dma_wait3A = arith.constant 0 : i32
      %dma_wait3A_55 = arith.constant 0 : i32
      %dma_wait3A_56 = tpu.memref_slice %arg7[%dma_wait3A, %dma_wait3A_55] : memref<128x128xf32, #tpu.memory_space<vmem>> -> memref<128x128xf32, #tpu.memory_space<vmem>>
      %dma_wait3A_57 = arith.constant 0 : i32
      %dma_wait3A_58 = tpu.memref_slice %arg5[%add3A_35, %dma_wait3A_57] : memref<10000x128xf32, #tpu.memory_space<vmem_shared>> -> memref<128x128xf32, #tpu.memory_space<vmem_shared>>
      %dma_wait3A_59 = arith.constant 0 : i32
      %dma_wait3A_60 = tpu.memref_slice %arg5[%add3A_35, %dma_wait3A_59] : memref<10000x128xf32, #tpu.memory_space<vmem_shared>> -> memref<128x128xf32, #tpu.memory_space<vmem_shared>>
      %dma_wait3A_61 = arith.constant 0 : i32
      %dma_wait3A_62 = arith.constant 0 : i32
      %dma_wait3A_63 = tpu.memref_slice %arg7[%dma_wait3A_61, %dma_wait3A_62] : memref<128x128xf32, #tpu.memory_space<vmem>> -> memref<128x128xf32, #tpu.memory_space<vmem>>
      tpu.wait_dma2 semaphore(%run_scoped3A : memref<!tpu.dma_semaphore, #tpu.memory_space<semaphore_mem>>) src(%dma_wait3A_63 : memref<128x128xf32, #tpu.memory_space<vmem>>) dst(%dma_wait3A_60 : memref<128x128xf32, #tpu.memory_space<vmem_shared>>)
      tpu.yield
    }) : () -> ()
    %add3A_36 = arith.constant 512 : i32
    %add3A_37 = arith.addi %min3A_27, %add3A_36 : i32
    "tpu.region"() ({
      %run_scoped3A = tpu.sem_alloc : memref<!tpu.dma_semaphore, #tpu.memory_space<semaphore_mem>>
      %dma_start3A = arith.constant 0 : i32
      %dma_start3A_46 = arith.constant 0 : i32
      %dma_start3A_47 = tpu.memref_slice %arg7[%dma_start3A, %dma_start3A_46] : memref<128x128xf32, #tpu.memory_space<vmem>> -> memref<120x128xf32, #tpu.memory_space<vmem>>
      %dma_start3A_48 = arith.constant 0 : i32
      %dma_start3A_49 = tpu.memref_slice %arg5[%add3A_37, %dma_start3A_48] : memref<10000x128xf32, #tpu.memory_space<vmem_shared>> -> memref<120x128xf32, #tpu.memory_space<vmem_shared>>
      %dma_start3A_50 = arith.constant 0 : i32
      %dma_start3A_51 = tpu.memref_slice %arg5[%add3A_37, %dma_start3A_50] : memref<10000x128xf32, #tpu.memory_space<vmem_shared>> -> memref<120x128xf32, #tpu.memory_space<vmem_shared>>
      %dma_start3A_52 = arith.constant 0 : i32
      %dma_start3A_53 = arith.constant 0 : i32
      %dma_start3A_54 = tpu.memref_slice %arg7[%dma_start3A_52, %dma_start3A_53] : memref<128x128xf32, #tpu.memory_space<vmem>> -> memref<120x128xf32, #tpu.memory_space<vmem>>
      tpu.enqueue_dma source(%dma_start3A_54 : memref<120x128xf32, #tpu.memory_space<vmem>>) target(%dma_start3A_51 : memref<120x128xf32, #tpu.memory_space<vmem_shared>>) target_semaphore(%run_scoped3A : memref<!tpu.dma_semaphore, #tpu.memory_space<semaphore_mem>>)
      %dma_wait3A = arith.constant 0 : i32
      %dma_wait3A_55 = arith.constant 0 : i32
      %dma_wait3A_56 = tpu.memref_slice %arg7[%dma_wait3A, %dma_wait3A_55] : memref<128x128xf32, #tpu.memory_space<vmem>> -> memref<120x128xf32, #tpu.memory_space<vmem>>
      %dma_wait3A_57 = arith.constant 0 : i32
      %dma_wait3A_58 = tpu.memref_slice %arg5[%add3A_37, %dma_wait3A_57] : memref<10000x128xf32, #tpu.memory_space<vmem_shared>> -> memref<120x128xf32, #tpu.memory_space<vmem_shared>>
      %dma_wait3A_59 = arith.constant 0 : i32
      %dma_wait3A_60 = tpu.memref_slice %arg5[%add3A_37, %dma_wait3A_59] : memref<10000x128xf32, #tpu.memory_space<vmem_shared>> -> memref<120x128xf32, #tpu.memory_space<vmem_shared>>
      %dma_wait3A_61 = arith.constant 0 : i32
      %dma_wait3A_62 = arith.constant 0 : i32
      %dma_wait3A_63 = tpu.memref_slice %arg7[%dma_wait3A_61, %dma_wait3A_62] : memref<128x128xf32, #tpu.memory_space<vmem>> -> memref<120x128xf32, #tpu.memory_space<vmem>>
      tpu.wait_dma2 semaphore(%run_scoped3A : memref<!tpu.dma_semaphore, #tpu.memory_space<semaphore_mem>>) src(%dma_wait3A_63 : memref<120x128xf32, #tpu.memory_space<vmem>>) dst(%dma_wait3A_60 : memref<120x128xf32, #tpu.memory_space<vmem_shared>>)
      tpu.yield
    }) : () -> ()
    %barrier3A = arith.constant 0 : index
    tpu.barrier barrier_id(%barrier3A)
    %scan3A_38 = arith.constant 0 : i32
    %scan3A_39 = arith.constant 0 : i32
    %scan3A_40 = arith.constant 79 : i32
    %scan3A_41 = arith.addi %scan3A_39, %scan3A_40 : i32
    %scan3A_42 = arith.constant 1 : i32
    %scan3A_43 = scf.for %scan3A_46 = %scan3A_39 to %scan3A_41 step %scan3A_42 iter_args(%scan3A_47 = %scan3A_38) -> (i32)  : i32 {
      "tpu.region"() ({
        %run_scoped3A_68 = tpu.sem_alloc : memref<!tpu.dma_semaphore, #tpu.memory_space<semaphore_mem>>
        %dma_start3A_69 = arith.constant 0 : i32
        %dma_start3A_70 = arith.constant 0 : i32
        %dma_start3A_71 = tpu.memref_slice %arg3[%add3A, %scan3A_46, %dma_start3A_69, %dma_start3A_70] : memref<32x79x3x128xi32, #tpu.memory_space<hbm>> -> memref<1x1x3x128xi32, #tpu.memory_space<hbm>>
        %dma_start3A_72 = tpu.memref_squeeze %dma_start3A_71 : memref<1x1x3x128xi32, #tpu.memory_space<hbm>> -> memref<3x128xi32, #tpu.memory_space<hbm>>
        %dma_start3A_73 = arith.constant 0 : i32
        %dma_start3A_74 = arith.constant 0 : i32
        %dma_start3A_75 = tpu.memref_slice %arg3[%add3A, %scan3A_46, %dma_start3A_73, %dma_start3A_74] : memref<32x79x3x128xi32, #tpu.memory_space<hbm>> -> memref<1x1x3x128xi32, #tpu.memory_space<hbm>>
        %dma_start3A_76 = tpu.memref_squeeze %dma_start3A_75 : memref<1x1x3x128xi32, #tpu.memory_space<hbm>> -> memref<3x128xi32, #tpu.memory_space<hbm>>
        tpu.enqueue_dma source(%dma_start3A_76 : memref<3x128xi32, #tpu.memory_space<hbm>>) target(%arg6 : memref<3x128xi32, #tpu.memory_space<vmem>>) target_semaphore(%run_scoped3A_68 : memref<!tpu.dma_semaphore, #tpu.memory_space<semaphore_mem>>)
        %dma_wait3A_77 = arith.constant 0 : i32
        %dma_wait3A_78 = arith.constant 0 : i32
        %dma_wait3A_79 = tpu.memref_slice %arg3[%add3A, %scan3A_46, %dma_wait3A_77, %dma_wait3A_78] : memref<32x79x3x128xi32, #tpu.memory_space<hbm>> -> memref<1x1x3x128xi32, #tpu.memory_space<hbm>>
        %dma_wait3A_80 = tpu.memref_squeeze %dma_wait3A_79 : memref<1x1x3x128xi32, #tpu.memory_space<hbm>> -> memref<3x128xi32, #tpu.memory_space<hbm>>
        %dma_wait3A_81 = arith.constant 0 : i32
        %dma_wait3A_82 = arith.constant 0 : i32
        %dma_wait3A_83 = tpu.memref_slice %arg3[%add3A, %scan3A_46, %dma_wait3A_81, %dma_wait3A_82] : memref<32x79x3x128xi32, #tpu.memory_space<hbm>> -> memref<1x1x3x128xi32, #tpu.memory_space<hbm>>
        %dma_wait3A_84 = tpu.memref_squeeze %dma_wait3A_83 : memref<1x1x3x128xi32, #tpu.memory_space<hbm>> -> memref<3x128xi32, #tpu.memory_space<hbm>>
        tpu.wait_dma2 semaphore(%run_scoped3A_68 : memref<!tpu.dma_semaphore, #tpu.memory_space<semaphore_mem>>) src(%dma_wait3A_84 : memref<3x128xi32, #tpu.memory_space<hbm>>) dst(%arg6 : memref<3x128xi32, #tpu.memory_space<vmem>>)
        tpu.yield
      }) : () -> ()
      %dma_start3A = arith.constant 0 : i32
      %dma_start3A_48 = arith.constant 0 : i32
      %dma_start3A_49 = tpu.memref_slice %arg6[%dma_start3A, %dma_start3A_48] : memref<3x128xi32, #tpu.memory_space<vmem>> -> memref<1x128xi32, #tpu.memory_space<vmem>>
      %dma_start3A_50 = tpu.memref_squeeze %dma_start3A_49 : memref<1x128xi32, #tpu.memory_space<vmem>> -> memref<128xi32, #tpu.memory_space<vmem>>
      %dma_start3A_51 = arith.constant 0 : i32
      %dma_start3A_52 = arith.constant 0 : i32
      %dma_start3A_53 = tpu.memref_slice %arg2[%dma_start3A_51, %dma_start3A_52] : memref<10000x128xf32, #tpu.memory_space<hbm>> -> memref<10000x128xf32, #tpu.memory_space<hbm>>
      tpu.enqueue_indirect_dma source(%dma_start3A_53 : memref<10000x128xf32, #tpu.memory_space<hbm>>) target(%arg7 : memref<128x128xf32, #tpu.memory_space<vmem>>) offsets(%dma_start3A_50 : memref<128xi32, #tpu.memory_space<vmem>>) semaphore(%arg8 : memref<!tpu.dma_semaphore, #tpu.memory_space<semaphore_mem>>)
      %dma_wait3A = arith.constant 0 : i32
      %dma_wait3A_54 = arith.constant 0 : i32
      %dma_wait3A_55 = tpu.memref_slice %arg6[%dma_wait3A, %dma_wait3A_54] : memref<3x128xi32, #tpu.memory_space<vmem>> -> memref<1x128xi32, #tpu.memory_space<vmem>>
      %dma_wait3A_56 = tpu.memref_squeeze %dma_wait3A_55 : memref<1x128xi32, #tpu.memory_space<vmem>> -> memref<128xi32, #tpu.memory_space<vmem>>
      %dma_wait3A_57 = arith.constant 0 : i32
      %dma_wait3A_58 = arith.constant 0 : i32
      %dma_wait3A_59 = tpu.memref_slice %arg2[%dma_wait3A_57, %dma_wait3A_58] : memref<10000x128xf32, #tpu.memory_space<hbm>> -> memref<10000x128xf32, #tpu.memory_space<hbm>>
      tpu.wait_indirect_dma semaphore(%arg8 : memref<!tpu.dma_semaphore, #tpu.memory_space<semaphore_mem>>) src(%dma_wait3A_59 : memref<10000x128xf32, #tpu.memory_space<hbm>>) dst(%arg7 : memref<128x128xf32, #tpu.memory_space<vmem>>)
      %scan3A_60 = arith.constant 0 : i32
      %scan3A_61 = arith.constant 0 : i32
      %scan3A_62 = arith.constant 8 : i32
      %scan3A_63 = arith.addi %scan3A_61, %scan3A_62 : i32
      %scan3A_64 = arith.constant 1 : i32
      %scan3A_65 = scf.for %scan3A_68 = %scan3A_61 to %scan3A_63 step %scan3A_64 iter_args(%scan3A_69 = %scan3A_60) -> (i32)  : i32 {
        %mul3A_70 = arith.constant 16 : i32
        %mul3A_71 = arith.muli %scan3A_68, %mul3A_70 : i32
        %get3A = arith.constant 2 : i32
        %get3A_72 = arith.index_cast %get3A : i32 to index
        %get3A_73 = arith.index_cast %mul3A_71 : i32 to index
        %get3A_74 = tpu.vector_load %arg6[%get3A_72, %get3A_73] {strides = array<i32>} : memref<3x128xi32, #tpu.memory_space<vmem>>, vector<1x16xi32>,
        %get3A_75 = vector.shape_cast %get3A_74 : vector<1x16xi32> to vector<16xi32>
        %bitcast_convert_type3A = tpu.bitcast %get3A_75 : vector<16xi32> -> vector<16xf32>
        %slice3A = vector.extract_strided_slice %bitcast_convert_type3A {offsets = [0], sizes = [1], strides = [1]} : vector<16xf32> to vector<1xf32>
        %squeeze3A = vector.extract %slice3A[0] : f32 from vector<1xf32>
        %broadcast_in_dim3A = vector.broadcast %squeeze3A : f32 to vector<16xf32>
        %mul3A_76 = arith.constant 16 : i32
        %mul3A_77 = arith.muli %scan3A_68, %mul3A_76 : i32
        %add3A_78 = arith.constant 0 : i32
        %add3A_79 = arith.addi %mul3A_77, %add3A_78 : i32
        %get3A_80 = arith.index_cast %add3A_79 : i32 to index
        %get3A_81 = arith.constant 0 : index
        %get3A_82 = tpu.vector_load %arg7[%get3A_80, %get3A_81] {strides = array<i32>} : memref<128x128xf32, #tpu.memory_space<vmem>>, vector<1x16xf32>,
        %get3A_83 = vector.shape_cast %get3A_82 : vector<1x16xf32> to vector<16xf32>
        %mul3A_84 = arith.mulf %get3A_83, %broadcast_in_dim3A : vector<16xf32>
        %swap3A = arith.index_cast %add3A_79 : i32 to index
        %swap3A_85 = arith.constant 0 : index
        %swap3A_86 = tpu.vector_load %arg7[%swap3A, %swap3A_85] {strides = array<i32>} : memref<128x128xf32, #tpu.memory_space<vmem>>, vector<1x16xf32>,
        %swap3A_87 = vector.shape_cast %swap3A_86 : vector<1x16xf32> to vector<16xf32>
        %swap3A_88 = vector.shape_cast %mul3A_84 : vector<16xf32> to vector<1x16xf32>
        tpu.vector_store %arg7[%swap3A, %swap3A_85], %swap3A_88 {strides = array<i32>} : memref<128x128xf32, #tpu.memory_space<vmem>>, vector<1x16xf32>,
        %get3A_89 = arith.index_cast %add3A_79 : i32 to index
        %get3A_90 = arith.constant 16 : index
        %get3A_91 = tpu.vector_load %arg7[%get3A_89, %get3A_90] {strides = array<i32>} : memref<128x128xf32, #tpu.memory_space<vmem>>, vector<1x16xf32>,
        %get3A_92 = vector.shape_cast %get3A_91 : vector<1x16xf32> to vector<16xf32>
        %mul3A_93 = arith.mulf %get3A_92, %broadcast_in_dim3A : vector<16xf32>
        %swap3A_94 = arith.index_cast %add3A_79 : i32 to index
        %swap3A_95 = arith.constant 16 : index
        %swap3A_96 = tpu.vector_load %arg7[%swap3A_94, %swap3A_95] {strides = array<i32>} : memref<128x128xf32, #tpu.memory_space<vmem>>, vector<1x16xf32>,
        %swap3A_97 = vector.shape_cast %swap3A_96 : vector<1x16xf32> to vector<16xf32>
        %swap3A_98 = vector.shape_cast %mul3A_93 : vector<16xf32> to vector<1x16xf32>
        tpu.vector_store %arg7[%swap3A_94, %swap3A_95], %swap3A_98 {strides = array<i32>} : memref<128x128xf32, #tpu.memory_space<vmem>>, vector<1x16xf32>,
        %get3A_99 = arith.index_cast %add3A_79 : i32 to index
        %get3A_100 = arith.constant 32 : index
        %get3A_101 = tpu.vector_load %arg7[%get3A_99, %get3A_100] {strides = array<i32>} : memref<128x128xf32, #tpu.memory_space<vmem>>, vector<1x16xf32>,
        %get3A_102 = vector.shape_cast %get3A_101 : vector<1x16xf32> to vector<16xf32>
        %mul3A_103 = arith.mulf %get3A_102, %broadcast_in_dim3A : vector<16xf32>
        %swap3A_104 = arith.index_cast %add3A_79 : i32 to index
        %swap3A_105 = arith.constant 32 : index
        %swap3A_106 = tpu.vector_load %arg7[%swap3A_104, %swap3A_105] {strides = array<i32>} : memref<128x128xf32, #tpu.memory_space<vmem>>, vector<1x16xf32>,
        %swap3A_107 = vector.shape_cast %swap3A_106 : vector<1x16xf32> to vector<16xf32>
        %swap3A_108 = vector.shape_cast %mul3A_103 : vector<16xf32> to vector<1x16xf32>
        tpu.vector_store %arg7[%swap3A_104, %swap3A_105], %swap3A_108 {strides = array<i32>} : memref<128x128xf32, #tpu.memory_space<vmem>>, vector<1x16xf32>,
        %get3A_109 = arith.index_cast %add3A_79 : i32 to index
        %get3A_110 = arith.constant 48 : index
        %get3A_111 = tpu.vector_load %arg7[%get3A_109, %get3A_110] {strides = array<i32>} : memref<128x128xf32, #tpu.memory_space<vmem>>, vector<1x16xf32>,
        %get3A_112 = vector.shape_cast %get3A_111 : vector<1x16xf32> to vector<16xf32>
        %mul3A_113 = arith.mulf %get3A_112, %broadcast_in_dim3A : vector<16xf32>
        %swap3A_114 = arith.index_cast %add3A_79 : i32 to index
        %swap3A_115 = arith.constant 48 : index
        %swap3A_116 = tpu.vector_load %arg7[%swap3A_114, %swap3A_115] {strides = array<i32>} : memref<128x128xf32, #tpu.memory_space<vmem>>, vector<1x16xf32>,
        %swap3A_117 = vector.shape_cast %swap3A_116 : vector<1x16xf32> to vector<16xf32>
        %swap3A_118 = vector.shape_cast %mul3A_113 : vector<16xf32> to vector<1x16xf32>
        tpu.vector_store %arg7[%swap3A_114, %swap3A_115], %swap3A_118 {strides = array<i32>} : memref<128x128xf32, #tpu.memory_space<vmem>>, vector<1x16xf32>,
        %get3A_119 = arith.index_cast %add3A_79 : i32 to index
        %get3A_120 = arith.constant 64 : index
        %get3A_121 = tpu.vector_load %arg7[%get3A_119, %get3A_120] {strides = array<i32>} : memref<128x128xf32, #tpu.memory_space<vmem>>, vector<1x16xf32>,
        %get3A_122 = vector.shape_cast %get3A_121 : vector<1x16xf32> to vector<16xf32>
        %mul3A_123 = arith.mulf %get3A_122, %broadcast_in_dim3A : vector<16xf32>
        %swap3A_124 = arith.index_cast %add3A_79 : i32 to index
        %swap3A_125 = arith.constant 64 : index
        %swap3A_126 = tpu.vector_load %arg7[%swap3A_124, %swap3A_125] {strides = array<i32>} : memref<128x128xf32, #tpu.memory_space<vmem>>, vector<1x16xf32>,
        %swap3A_127 = vector.shape_cast %swap3A_126 : vector<1x16xf32> to vector<16xf32>
        %swap3A_128 = vector.shape_cast %mul3A_123 : vector<16xf32> to vector<1x16xf32>
        tpu.vector_store %arg7[%swap3A_124, %swap3A_125], %swap3A_128 {strides = array<i32>} : memref<128x128xf32, #tpu.memory_space<vmem>>, vector<1x16xf32>,
        %get3A_129 = arith.index_cast %add3A_79 : i32 to index
        %get3A_130 = arith.constant 80 : index
        %get3A_131 = tpu.vector_load %arg7[%get3A_129, %get3A_130] {strides = array<i32>} : memref<128x128xf32, #tpu.memory_space<vmem>>, vector<1x16xf32>,
        %get3A_132 = vector.shape_cast %get3A_131 : vector<1x16xf32> to vector<16xf32>
        %mul3A_133 = arith.mulf %get3A_132, %broadcast_in_dim3A : vector<16xf32>
        %swap3A_134 = arith.index_cast %add3A_79 : i32 to index
        %swap3A_135 = arith.constant 80 : index
        %swap3A_136 = tpu.vector_load %arg7[%swap3A_134, %swap3A_135] {strides = array<i32>} : memref<128x128xf32, #tpu.memory_space<vmem>>, vector<1x16xf32>,
        %swap3A_137 = vector.shape_cast %swap3A_136 : vector<1x16xf32> to vector<16xf32>
        %swap3A_138 = vector.shape_cast %mul3A_133 : vector<16xf32> to vector<1x16xf32>
        tpu.vector_store %arg7[%swap3A_134, %swap3A_135], %swap3A_138 {strides = array<i32>} : memref<128x128xf32, #tpu.memory_space<vmem>>, vector<1x16xf32>,
        %get3A_139 = arith.index_cast %add3A_79 : i32 to index
        %get3A_140 = arith.constant 96 : index
        %get3A_141 = tpu.vector_load %arg7[%get3A_139, %get3A_140] {strides = array<i32>} : memref<128x128xf32, #tpu.memory_space<vmem>>, vector<1x16xf32>,
        %get3A_142 = vector.shape_cast %get3A_141 : vector<1x16xf32> to vector<16xf32>
        %mul3A_143 = arith.mulf %get3A_142, %broadcast_in_dim3A : vector<16xf32>
        %swap3A_144 = arith.index_cast %add3A_79 : i32 to index
        %swap3A_145 = arith.constant 96 : index
        %swap3A_146 = tpu.vector_load %arg7[%swap3A_144, %swap3A_145] {strides = array<i32>} : memref<128x128xf32, #tpu.memory_space<vmem>>, vector<1x16xf32>,
        %swap3A_147 = vector.shape_cast %swap3A_146 : vector<1x16xf32> to vector<16xf32>
        %swap3A_148 = vector.shape_cast %mul3A_143 : vector<16xf32> to vector<1x16xf32>
        tpu.vector_store %arg7[%swap3A_144, %swap3A_145], %swap3A_148 {strides = array<i32>} : memref<128x128xf32, #tpu.memory_space<vmem>>, vector<1x16xf32>,
        %get3A_149 = arith.index_cast %add3A_79 : i32 to index
        %get3A_150 = arith.constant 112 : index
        %get3A_151 = tpu.vector_load %arg7[%get3A_149, %get3A_150] {strides = array<i32>} : memref<128x128xf32, #tpu.memory_space<vmem>>, vector<1x16xf32>,
        %get3A_152 = vector.shape_cast %get3A_151 : vector<1x16xf32> to vector<16xf32>
        %mul3A_153 = arith.mulf %get3A_152, %broadcast_in_dim3A : vector<16xf32>
        %swap3A_154 = arith.index_cast %add3A_79 : i32 to index
        %swap3A_155 = arith.constant 112 : index
        %swap3A_156 = tpu.vector_load %arg7[%swap3A_154, %swap3A_155] {strides = array<i32>} : memref<128x128xf32, #tpu.memory_space<vmem>>, vector<1x16xf32>,
        %swap3A_157 = vector.shape_cast %swap3A_156 : vector<1x16xf32> to vector<16xf32>
        %swap3A_158 = vector.shape_cast %mul3A_153 : vector<16xf32> to vector<1x16xf32>
        tpu.vector_store %arg7[%swap3A_154, %swap3A_155], %swap3A_158 {strides = array<i32>} : memref<128x128xf32, #tpu.memory_space<vmem>>, vector<1x16xf32>,
        %slice3A_159 = vector.extract_strided_slice %bitcast_convert_type3A {offsets = [1], sizes = [1], strides = [1]} : vector<16xf32> to vector<1xf32>
        %squeeze3A_160 = vector.extract %slice3A_159[0] : f32 from vector<1xf32>
        %broadcast_in_dim3A_161 = vector.broadcast %squeeze3A_160 : f32 to vector<16xf32>
        %mul3A_162 = arith.constant 16 : i32
        %mul3A_163 = arith.muli %scan3A_68, %mul3A_162 : i32
        %add3A_164 = arith.constant 1 : i32
        %add3A_165 = arith.addi %mul3A_163, %add3A_164 : i32
        %get3A_166 = arith.index_cast %add3A_165 : i32 to index
        %get3A_167 = arith.constant 0 : index
        %get3A_168 = tpu.vector_load %arg7[%get3A_166, %get3A_167] {strides = array<i32>} : memref<128x128xf32, #tpu.memory_space<vmem>>, vector<1x16xf32>,
        %get3A_169 = vector.shape_cast %get3A_168 : vector<1x16xf32> to vector<16xf32>
        %mul3A_170 = arith.mulf %get3A_169, %broadcast_in_dim3A_161 : vector<16xf32>
        %swap3A_171 = arith.index_cast %add3A_165 : i32 to index
        %swap3A_172 = arith.constant 0 : index
        %swap3A_173 = tpu.vector_load %arg7[%swap3A_171, %swap3A_172] {strides = array<i32>} : memref<128x128xf32, #tpu.memory_space<vmem>>, vector<1x16xf32>,
        %swap3A_174 = vector.shape_cast %swap3A_173 : vector<1x16xf32> to vector<16xf32>
        %swap3A_175 = vector.shape_cast %mul3A_170 : vector<16xf32> to vector<1x16xf32>
        tpu.vector_store %arg7[%swap3A_171, %swap3A_172], %swap3A_175 {strides = array<i32>} : memref<128x128xf32, #tpu.memory_space<vmem>>, vector<1x16xf32>,
        %get3A_176 = arith.index_cast %add3A_165 : i32 to index
        %get3A_177 = arith.constant 16 : index
        %get3A_178 = tpu.vector_load %arg7[%get3A_176, %get3A_177] {strides = array<i32>} : memref<128x128xf32, #tpu.memory_space<vmem>>, vector<1x16xf32>,
        %get3A_179 = vector.shape_cast %get3A_178 : vector<1x16xf32> to vector<16xf32>
        %mul3A_180 = arith.mulf %get3A_179, %broadcast_in_dim3A_161 : vector<16xf32>
        %swap3A_181 = arith.index_cast %add3A_165 : i32 to index
        %swap3A_182 = arith.constant 16 : index
        %swap3A_183 = tpu.vector_load %arg7[%swap3A_181, %swap3A_182] {strides = array<i32>} : memref<128x128xf32, #tpu.memory_space<vmem>>, vector<1x16xf32>,
        %swap3A_184 = vector.shape_cast %swap3A_183 : vector<1x16xf32> to vector<16xf32>
        %swap3A_185 = vector.shape_cast %mul3A_180 : vector<16xf32> to vector<1x16xf32>
        tpu.vector_store %arg7[%swap3A_181, %swap3A_182], %swap3A_185 {strides = array<i32>} : memref<128x128xf32, #tpu.memory_space<vmem>>, vector<1x16xf32>,
        %get3A_186 = arith.index_cast %add3A_165 : i32 to index
        %get3A_187 = arith.constant 32 : index
        %get3A_188 = tpu.vector_load %arg7[%get3A_186, %get3A_187] {strides = array<i32>} : memref<128x128xf32, #tpu.memory_space<vmem>>, vector<1x16xf32>,
        %get3A_189 = vector.shape_cast %get3A_188 : vector<1x16xf32> to vector<16xf32>
        %mul3A_190 = arith.mulf %get3A_189, %broadcast_in_dim3A_161 : vector<16xf32>
        %swap3A_191 = arith.index_cast %add3A_165 : i32 to index
        %swap3A_192 = arith.constant 32 : index
        %swap3A_193 = tpu.vector_load %arg7[%swap3A_191, %swap3A_192] {strides = array<i32>} : memref<128x128xf32, #tpu.memory_space<vmem>>, vector<1x16xf32>,
        %swap3A_194 = vector.shape_cast %swap3A_193 : vector<1x16xf32> to vector<16xf32>
        %swap3A_195 = vector.shape_cast %mul3A_190 : vector<16xf32> to vector<1x16xf32>
        tpu.vector_store %arg7[%swap3A_191, %swap3A_192], %swap3A_195 {strides = array<i32>} : memref<128x128xf32, #tpu.memory_space<vmem>>, vector<1x16xf32>,
        %get3A_196 = arith.index_cast %add3A_165 : i32 to index
        %get3A_197 = arith.constant 48 : index
        %get3A_198 = tpu.vector_load %arg7[%get3A_196, %get3A_197] {strides = array<i32>} : memref<128x128xf32, #tpu.memory_space<vmem>>, vector<1x16xf32>,
        %get3A_199 = vector.shape_cast %get3A_198 : vector<1x16xf32> to vector<16xf32>
        %mul3A_200 = arith.mulf %get3A_199, %broadcast_in_dim3A_161 : vector<16xf32>
        %swap3A_201 = arith.index_cast %add3A_165 : i32 to index
        %swap3A_202 = arith.constant 48 : index
        %swap3A_203 = tpu.vector_load %arg7[%swap3A_201, %swap3A_202] {strides = array<i32>} : memref<128x128xf32, #tpu.memory_space<vmem>>, vector<1x16xf32>,
        %swap3A_204 = vector.shape_cast %swap3A_203 : vector<1x16xf32> to vector<16xf32>
        %swap3A_205 = vector.shape_cast %mul3A_200 : vector<16xf32> to vector<1x16xf32>
        tpu.vector_store %arg7[%swap3A_201, %swap3A_202], %swap3A_205 {strides = array<i32>} : memref<128x128xf32, #tpu.memory_space<vmem>>, vector<1x16xf32>,
        %get3A_206 = arith.index_cast %add3A_165 : i32 to index
        %get3A_207 = arith.constant 64 : index
        %get3A_208 = tpu.vector_load %arg7[%get3A_206, %get3A_207] {strides = array<i32>} : memref<128x128xf32, #tpu.memory_space<vmem>>, vector<1x16xf32>,
        %get3A_209 = vector.shape_cast %get3A_208 : vector<1x16xf32> to vector<16xf32>
        %mul3A_210 = arith.mulf %get3A_209, %broadcast_in_dim3A_161 : vector<16xf32>
        %swap3A_211 = arith.index_cast %add3A_165 : i32 to index
        %swap3A_212 = arith.constant 64 : index
        %swap3A_213 = tpu.vector_load %arg7[%swap3A_211, %swap3A_212] {strides = array<i32>} : memref<128x128xf32, #tpu.memory_space<vmem>>, vector<1x16xf32>,
        %swap3A_214 = vector.shape_cast %swap3A_213 : vector<1x16xf32> to vector<16xf32>
        %swap3A_215 = vector.shape_cast %mul3A_210 : vector<16xf32> to vector<1x16xf32>
        tpu.vector_store %arg7[%swap3A_211, %swap3A_212], %swap3A_215 {strides = array<i32>} : memref<128x128xf32, #tpu.memory_space<vmem>>, vector<1x16xf32>,
        %get3A_216 = arith.index_cast %add3A_165 : i32 to index
        %get3A_217 = arith.constant 80 : index
        %get3A_218 = tpu.vector_load %arg7[%get3A_216, %get3A_217] {strides = array<i32>} : memref<128x128xf32, #tpu.memory_space<vmem>>, vector<1x16xf32>,
        %get3A_219 = vector.shape_cast %get3A_218 : vector<1x16xf32> to vector<16xf32>
        %mul3A_220 = arith.mulf %get3A_219, %broadcast_in_dim3A_161 : vector<16xf32>
        %swap3A_221 = arith.index_cast %add3A_165 : i32 to index
        %swap3A_222 = arith.constant 80 : index
        %swap3A_223 = tpu.vector_load %arg7[%swap3A_221, %swap3A_222] {strides = array<i32>} : memref<128x128xf32, #tpu.memory_space<vmem>>, vector<1x16xf32>,
        %swap3A_224 = vector.shape_cast %swap3A_223 : vector<1x16xf32> to vector<16xf32>
        %swap3A_225 = vector.shape_cast %mul3A_220 : vector<16xf32> to vector<1x16xf32>
        tpu.vector_store %arg7[%swap3A_221, %swap3A_222], %swap3A_225 {strides = array<i32>} : memref<128x128xf32, #tpu.memory_space<vmem>>, vector<1x16xf32>,
        %get3A_226 = arith.index_cast %add3A_165 : i32 to index
        %get3A_227 = arith.constant 96 : index
        %get3A_228 = tpu.vector_load %arg7[%get3A_226, %get3A_227] {strides = array<i32>} : memref<128x128xf32, #tpu.memory_space<vmem>>, vector<1x16xf32>,
        %get3A_229 = vector.shape_cast %get3A_228 : vector<1x16xf32> to vector<16xf32>
        %mul3A_230 = arith.mulf %get3A_229, %broadcast_in_dim3A_161 : vector<16xf32>
        %swap3A_231 = arith.index_cast %add3A_165 : i32 to index
        %swap3A_232 = arith.constant 96 : index
        %swap3A_233 = tpu.vector_load %arg7[%swap3A_231, %swap3A_232] {strides = array<i32>} : memref<128x128xf32, #tpu.memory_space<vmem>>, vector<1x16xf32>,
        %swap3A_234 = vector.shape_cast %swap3A_233 : vector<1x16xf32> to vector<16xf32>
        %swap3A_235 = vector.shape_cast %mul3A_230 : vector<16xf32> to vector<1x16xf32>
        tpu.vector_store %arg7[%swap3A_231, %swap3A_232], %swap3A_235 {strides = array<i32>} : memref<128x128xf32, #tpu.memory_space<vmem>>, vector<1x16xf32>,
        %get3A_236 = arith.index_cast %add3A_165 : i32 to index
        %get3A_237 = arith.constant 112 : index
        %get3A_238 = tpu.vector_load %arg7[%get3A_236, %get3A_237] {strides = array<i32>} : memref<128x128xf32, #tpu.memory_space<vmem>>, vector<1x16xf32>,
        %get3A_239 = vector.shape_cast %get3A_238 : vector<1x16xf32> to vector<16xf32>
        %mul3A_240 = arith.mulf %get3A_239, %broadcast_in_dim3A_161 : vector<16xf32>
        %swap3A_241 = arith.index_cast %add3A_165 : i32 to index
        %swap3A_242 = arith.constant 112 : index
        %swap3A_243 = tpu.vector_load %arg7[%swap3A_241, %swap3A_242] {strides = array<i32>} : memref<128x128xf32, #tpu.memory_space<vmem>>, vector<1x16xf32>,
        %swap3A_244 = vector.shape_cast %swap3A_243 : vector<1x16xf32> to vector<16xf32>
        %swap3A_245 = vector.shape_cast %mul3A_240 : vector<16xf32> to vector<1x16xf32>
        tpu.vector_store %arg7[%swap3A_241, %swap3A_242], %swap3A_245 {strides = array<i32>} : memref<128x128xf32, #tpu.memory_space<vmem>>, vector<1x16xf32>,
        %slice3A_246 = vector.extract_strided_slice %bitcast_convert_type3A {offsets = [2], sizes = [1], strides = [1]} : vector<16xf32> to vector<1xf32>
        %squeeze3A_247 = vector.extract %slice3A_246[0] : f32 from vector<1xf32>
        %broadcast_in_dim3A_248 = vector.broadcast %squeeze3A_247 : f32 to vector<16xf32>
        %mul3A_249 = arith.constant 16 : i32
        %mul3A_250 = arith.muli %scan3A_68, %mul3A_249 : i32
        %add3A_251 = arith.constant 2 : i32
        %add3A_252 = arith.addi %mul3A_250, %add3A_251 : i32
        %get3A_253 = arith.index_cast %add3A_252 : i32 to index
        %get3A_254 = arith.constant 0 : index
        %get3A_255 = tpu.vector_load %arg7[%get3A_253, %get3A_254] {strides = array<i32>} : memref<128x128xf32, #tpu.memory_space<vmem>>, vector<1x16xf32>,
        %get3A_256 = vector.shape_cast %get3A_255 : vector<1x16xf32> to vector<16xf32>
        %mul3A_257 = arith.mulf %get3A_256, %broadcast_in_dim3A_248 : vector<16xf32>
        %swap3A_258 = arith.index_cast %add3A_252 : i32 to index
        %swap3A_259 = arith.constant 0 : index
        %swap3A_260 = tpu.vector_load %arg7[%swap3A_258, %swap3A_259] {strides = array<i32>} : memref<128x128xf32, #tpu.memory_space<vmem>>, vector<1x16xf32>,
        %swap3A_261 = vector.shape_cast %swap3A_260 : vector<1x16xf32> to vector<16xf32>
        %swap3A_262 = vector.shape_cast %mul3A_257 : vector<16xf32> to vector<1x16xf32>
        tpu.vector_store %arg7[%swap3A_258, %swap3A_259], %swap3A_262 {strides = array<i32>} : memref<128x128xf32, #tpu.memory_space<vmem>>, vector<1x16xf32>,
        %get3A_263 = arith.index_cast %add3A_252 : i32 to index
        %get3A_264 = arith.constant 16 : index
        %get3A_265 = tpu.vector_load %arg7[%get3A_263, %get3A_264] {strides = array<i32>} : memref<128x128xf32, #tpu.memory_space<vmem>>, vector<1x16xf32>,
        %get3A_266 = vector.shape_cast %get3A_265 : vector<1x16xf32> to vector<16xf32>
        %mul3A_267 = arith.mulf %get3A_266, %broadcast_in_dim3A_248 : vector<16xf32>
        %swap3A_268 = arith.index_cast %add3A_252 : i32 to index
        %swap3A_269 = arith.constant 16 : index
        %swap3A_270 = tpu.vector_load %arg7[%swap3A_268, %swap3A_269] {strides = array<i32>} : memref<128x128xf32, #tpu.memory_space<vmem>>, vector<1x16xf32>,
        %swap3A_271 = vector.shape_cast %swap3A_270 : vector<1x16xf32> to vector<16xf32>
        %swap3A_272 = vector.shape_cast %mul3A_267 : vector<16xf32> to vector<1x16xf32>
        tpu.vector_store %arg7[%swap3A_268, %swap3A_269], %swap3A_272 {strides = array<i32>} : memref<128x128xf32, #tpu.memory_space<vmem>>, vector<1x16xf32>,
        %get3A_273 = arith.index_cast %add3A_252 : i32 to index
        %get3A_274 = arith.constant 32 : index
        %get3A_275 = tpu.vector_load %arg7[%get3A_273, %get3A_274] {strides = array<i32>} : memref<128x128xf32, #tpu.memory_space<vmem>>, vector<1x16xf32>,
        %get3A_276 = vector.shape_cast %get3A_275 : vector<1x16xf32> to vector<16xf32>
        %mul3A_277 = arith.mulf %get3A_276, %broadcast_in_dim3A_248 : vector<16xf32>
        %swap3A_278 = arith.index_cast %add3A_252 : i32 to index
        %swap3A_279 = arith.constant 32 : index
        %swap3A_280 = tpu.vector_load %arg7[%swap3A_278, %swap3A_279] {strides = array<i32>} : memref<128x128xf32, #tpu.memory_space<vmem>>, vector<1x16xf32>,
        %swap3A_281 = vector.shape_cast %swap3A_280 : vector<1x16xf32> to vector<16xf32>
        %swap3A_282 = vector.shape_cast %mul3A_277 : vector<16xf32> to vector<1x16xf32>
        tpu.vector_store %arg7[%swap3A_278, %swap3A_279], %swap3A_282 {strides = array<i32>} : memref<128x128xf32, #tpu.memory_space<vmem>>, vector<1x16xf32>,
        %get3A_283 = arith.index_cast %add3A_252 : i32 to index
        %get3A_284 = arith.constant 48 : index
        %get3A_285 = tpu.vector_load %arg7[%get3A_283, %get3A_284] {strides = array<i32>} : memref<128x128xf32, #tpu.memory_space<vmem>>, vector<1x16xf32>,
        %get3A_286 = vector.shape_cast %get3A_285 : vector<1x16xf32> to vector<16xf32>
        %mul3A_287 = arith.mulf %get3A_286, %broadcast_in_dim3A_248 : vector<16xf32>
        %swap3A_288 = arith.index_cast %add3A_252 : i32 to index
        %swap3A_289 = arith.constant 48 : index
        %swap3A_290 = tpu.vector_load %arg7[%swap3A_288, %swap3A_289] {strides = array<i32>} : memref<128x128xf32, #tpu.memory_space<vmem>>, vector<1x16xf32>,
        %swap3A_291 = vector.shape_cast %swap3A_290 : vector<1x16xf32> to vector<16xf32>
        %swap3A_292 = vector.shape_cast %mul3A_287 : vector<16xf32> to vector<1x16xf32>
        tpu.vector_store %arg7[%swap3A_288, %swap3A_289], %swap3A_292 {strides = array<i32>} : memref<128x128xf32, #tpu.memory_space<vmem>>, vector<1x16xf32>,
        %get3A_293 = arith.index_cast %add3A_252 : i32 to index
        %get3A_294 = arith.constant 64 : index
        %get3A_295 = tpu.vector_load %arg7[%get3A_293, %get3A_294] {strides = array<i32>} : memref<128x128xf32, #tpu.memory_space<vmem>>, vector<1x16xf32>,
        %get3A_296 = vector.shape_cast %get3A_295 : vector<1x16xf32> to vector<16xf32>
        %mul3A_297 = arith.mulf %get3A_296, %broadcast_in_dim3A_248 : vector<16xf32>
        %swap3A_298 = arith.index_cast %add3A_252 : i32 to index
        %swap3A_299 = arith.constant 64 : index
        %swap3A_300 = tpu.vector_load %arg7[%swap3A_298, %swap3A_299] {strides = array<i32>} : memref<128x128xf32, #tpu.memory_space<vmem>>, vector<1x16xf32>,
        %swap3A_301 = vector.shape_cast %swap3A_300 : vector<1x16xf32> to vector<16xf32>
        %swap3A_302 = vector.shape_cast %mul3A_297 : vector<16xf32> to vector<1x16xf32>
        tpu.vector_store %arg7[%swap3A_298, %swap3A_299], %swap3A_302 {strides = array<i32>} : memref<128x128xf32, #tpu.memory_space<vmem>>, vector<1x16xf32>,
        %get3A_303 = arith.index_cast %add3A_252 : i32 to index
        %get3A_304 = arith.constant 80 : index
        %get3A_305 = tpu.vector_load %arg7[%get3A_303, %get3A_304] {strides = array<i32>} : memref<128x128xf32, #tpu.memory_space<vmem>>, vector<1x16xf32>,
        %get3A_306 = vector.shape_cast %get3A_305 : vector<1x16xf32> to vector<16xf32>
        %mul3A_307 = arith.mulf %get3A_306, %broadcast_in_dim3A_248 : vector<16xf32>
        %swap3A_308 = arith.index_cast %add3A_252 : i32 to index
        %swap3A_309 = arith.constant 80 : index
        %swap3A_310 = tpu.vector_load %arg7[%swap3A_308, %swap3A_309] {strides = array<i32>} : memref<128x128xf32, #tpu.memory_space<vmem>>, vector<1x16xf32>,
        %swap3A_311 = vector.shape_cast %swap3A_310 : vector<1x16xf32> to vector<16xf32>
        %swap3A_312 = vector.shape_cast %mul3A_307 : vector<16xf32> to vector<1x16xf32>
        tpu.vector_store %arg7[%swap3A_308, %swap3A_309], %swap3A_312 {strides = array<i32>} : memref<128x128xf32, #tpu.memory_space<vmem>>, vector<1x16xf32>,
        %get3A_313 = arith.index_cast %add3A_252 : i32 to index
        %get3A_314 = arith.constant 96 : index
        %get3A_315 = tpu.vector_load %arg7[%get3A_313, %get3A_314] {strides = array<i32>} : memref<128x128xf32, #tpu.memory_space<vmem>>, vector<1x16xf32>,
        %get3A_316 = vector.shape_cast %get3A_315 : vector<1x16xf32> to vector<16xf32>
        %mul3A_317 = arith.mulf %get3A_316, %broadcast_in_dim3A_248 : vector<16xf32>
        %swap3A_318 = arith.index_cast %add3A_252 : i32 to index
        %swap3A_319 = arith.constant 96 : index
        %swap3A_320 = tpu.vector_load %arg7[%swap3A_318, %swap3A_319] {strides = array<i32>} : memref<128x128xf32, #tpu.memory_space<vmem>>, vector<1x16xf32>,
        %swap3A_321 = vector.shape_cast %swap3A_320 : vector<1x16xf32> to vector<16xf32>
        %swap3A_322 = vector.shape_cast %mul3A_317 : vector<16xf32> to vector<1x16xf32>
        tpu.vector_store %arg7[%swap3A_318, %swap3A_319], %swap3A_322 {strides = array<i32>} : memref<128x128xf32, #tpu.memory_space<vmem>>, vector<1x16xf32>,
        %get3A_323 = arith.index_cast %add3A_252 : i32 to index
        %get3A_324 = arith.constant 112 : index
        %get3A_325 = tpu.vector_load %arg7[%get3A_323, %get3A_324] {strides = array<i32>} : memref<128x128xf32, #tpu.memory_space<vmem>>, vector<1x16xf32>,
        %get3A_326 = vector.shape_cast %get3A_325 : vector<1x16xf32> to vector<16xf32>
        %mul3A_327 = arith.mulf %get3A_326, %broadcast_in_dim3A_248 : vector<16xf32>
        %swap3A_328 = arith.index_cast %add3A_252 : i32 to index
        %swap3A_329 = arith.constant 112 : index
        %swap3A_330 = tpu.vector_load %arg7[%swap3A_328, %swap3A_329] {strides = array<i32>} : memref<128x128xf32, #tpu.memory_space<vmem>>, vector<1x16xf32>,
        %swap3A_331 = vector.shape_cast %swap3A_330 : vector<1x16xf32> to vector<16xf32>
        %swap3A_332 = vector.shape_cast %mul3A_327 : vector<16xf32> to vector<1x16xf32>
        tpu.vector_store %arg7[%swap3A_328, %swap3A_329], %swap3A_332 {strides = array<i32>} : memref<128x128xf32, #tpu.memory_space<vmem>>, vector<1x16xf32>,
        %slice3A_333 = vector.extract_strided_slice %bitcast_convert_type3A {offsets = [3], sizes = [1], strides = [1]} : vector<16xf32> to vector<1xf32>
        %squeeze3A_334 = vector.extract %slice3A_333[0] : f32 from vector<1xf32>
        %broadcast_in_dim3A_335 = vector.broadcast %squeeze3A_334 : f32 to vector<16xf32>
        %mul3A_336 = arith.constant 16 : i32
        %mul3A_337 = arith.muli %scan3A_68, %mul3A_336 : i32
        %add3A_338 = arith.constant 3 : i32
        %add3A_339 = arith.addi %mul3A_337, %add3A_338 : i32
        %get3A_340 = arith.index_cast %add3A_339 : i32 to index
        %get3A_341 = arith.constant 0 : index
        %get3A_342 = tpu.vector_load %arg7[%get3A_340, %get3A_341] {strides = array<i32>} : memref<128x128xf32, #tpu.memory_space<vmem>>, vector<1x16xf32>,
        %get3A_343 = vector.shape_cast %get3A_342 : vector<1x16xf32> to vector<16xf32>
        %mul3A_344 = arith.mulf %get3A_343, %broadcast_in_dim3A_335 : vector<16xf32>
        %swap3A_345 = arith.index_cast %add3A_339 : i32 to index
        %swap3A_346 = arith.constant 0 : index
        %swap3A_347 = tpu.vector_load %arg7[%swap3A_345, %swap3A_346] {strides = array<i32>} : memref<128x128xf32, #tpu.memory_space<vmem>>, vector<1x16xf32>,
        %swap3A_348 = vector.shape_cast %swap3A_347 : vector<1x16xf32> to vector<16xf32>
        %swap3A_349 = vector.shape_cast %mul3A_344 : vector<16xf32> to vector<1x16xf32>
        tpu.vector_store %arg7[%swap3A_345, %swap3A_346], %swap3A_349 {strides = array<i32>} : memref<128x128xf32, #tpu.memory_space<vmem>>, vector<1x16xf32>,
        %get3A_350 = arith.index_cast %add3A_339 : i32 to index
        %get3A_351 = arith.constant 16 : index
        %get3A_352 = tpu.vector_load %arg7[%get3A_350, %get3A_351] {strides = array<i32>} : memref<128x128xf32, #tpu.memory_space<vmem>>, vector<1x16xf32>,
        %get3A_353 = vector.shape_cast %get3A_352 : vector<1x16xf32> to vector<16xf32>
        %mul3A_354 = arith.mulf %get3A_353, %broadcast_in_dim3A_335 : vector<16xf32>
        %swap3A_355 = arith.index_cast %add3A_339 : i32 to index
        %swap3A_356 = arith.constant 16 : index
        %swap3A_357 = tpu.vector_load %arg7[%swap3A_355, %swap3A_356] {strides = array<i32>} : memref<128x128xf32, #tpu.memory_space<vmem>>, vector<1x16xf32>,
        %swap3A_358 = vector.shape_cast %swap3A_357 : vector<1x16xf32> to vector<16xf32>
        %swap3A_359 = vector.shape_cast %mul3A_354 : vector<16xf32> to vector<1x16xf32>
        tpu.vector_store %arg7[%swap3A_355, %swap3A_356], %swap3A_359 {strides = array<i32>} : memref<128x128xf32, #tpu.memory_space<vmem>>, vector<1x16xf32>,
        %get3A_360 = arith.index_cast %add3A_339 : i32 to index
        %get3A_361 = arith.constant 32 : index
        %get3A_362 = tpu.vector_load %arg7[%get3A_360, %get3A_361] {strides = array<i32>} : memref<128x128xf32, #tpu.memory_space<vmem>>, vector<1x16xf32>,
        %get3A_363 = vector.shape_cast %get3A_362 : vector<1x16xf32> to vector<16xf32>
        %mul3A_364 = arith.mulf %get3A_363, %broadcast_in_dim3A_335 : vector<16xf32>
        %swap3A_365 = arith.index_cast %add3A_339 : i32 to index
        %swap3A_366 = arith.constant 32 : index
        %swap3A_367 = tpu.vector_load %arg7[%swap3A_365, %swap3A_366] {strides = array<i32>} : memref<128x128xf32, #tpu.memory_space<vmem>>, vector<1x16xf32>,
        %swap3A_368 = vector.shape_cast %swap3A_367 : vector<1x16xf32> to vector<16xf32>
        %swap3A_369 = vector.shape_cast %mul3A_364 : vector<16xf32> to vector<1x16xf32>
        tpu.vector_store %arg7[%swap3A_365, %swap3A_366], %swap3A_369 {strides = array<i32>} : memref<128x128xf32, #tpu.memory_space<vmem>>, vector<1x16xf32>,
        %get3A_370 = arith.index_cast %add3A_339 : i32 to index
        %get3A_371 = arith.constant 48 : index
        %get3A_372 = tpu.vector_load %arg7[%get3A_370, %get3A_371] {strides = array<i32>} : memref<128x128xf32, #tpu.memory_space<vmem>>, vector<1x16xf32>,
        %get3A_373 = vector.shape_cast %get3A_372 : vector<1x16xf32> to vector<16xf32>
        %mul3A_374 = arith.mulf %get3A_373, %broadcast_in_dim3A_335 : vector<16xf32>
        %swap3A_375 = arith.index_cast %add3A_339 : i32 to index
        %swap3A_376 = arith.constant 48 : index
        %swap3A_377 = tpu.vector_load %arg7[%swap3A_375, %swap3A_376] {strides = array<i32>} : memref<128x128xf32, #tpu.memory_space<vmem>>, vector<1x16xf32>,
        %swap3A_378 = vector.shape_cast %swap3A_377 : vector<1x16xf32> to vector<16xf32>
        %swap3A_379 = vector.shape_cast %mul3A_374 : vector<16xf32> to vector<1x16xf32>
        tpu.vector_store %arg7[%swap3A_375, %swap3A_376], %swap3A_379 {strides = array<i32>} : memref<128x128xf32, #tpu.memory_space<vmem>>, vector<1x16xf32>,
        %get3A_380 = arith.index_cast %add3A_339 : i32 to index
        %get3A_381 = arith.constant 64 : index
        %get3A_382 = tpu.vector_load %arg7[%get3A_380, %get3A_381] {strides = array<i32>} : memref<128x128xf32, #tpu.memory_space<vmem>>, vector<1x16xf32>,
        %get3A_383 = vector.shape_cast %get3A_382 : vector<1x16xf32> to vector<16xf32>
        %mul3A_384 = arith.mulf %get3A_383, %broadcast_in_dim3A_335 : vector<16xf32>
        %swap3A_385 = arith.index_cast %add3A_339 : i32 to index
        %swap3A_386 = arith.constant 64 : index
        %swap3A_387 = tpu.vector_load %arg7[%swap3A_385, %swap3A_386] {strides = array<i32>} : memref<128x128xf32, #tpu.memory_space<vmem>>, vector<1x16xf32>,
        %swap3A_388 = vector.shape_cast %swap3A_387 : vector<1x16xf32> to vector<16xf32>
        %swap3A_389 = vector.shape_cast %mul3A_384 : vector<16xf32> to vector<1x16xf32>
        tpu.vector_store %arg7[%swap3A_385, %swap3A_386], %swap3A_389 {strides = array<i32>} : memref<128x128xf32, #tpu.memory_space<vmem>>, vector<1x16xf32>,
        %get3A_390 = arith.index_cast %add3A_339 : i32 to index
        %get3A_391 = arith.constant 80 : index
        %get3A_392 = tpu.vector_load %arg7[%get3A_390, %get3A_391] {strides = array<i32>} : memref<128x128xf32, #tpu.memory_space<vmem>>, vector<1x16xf32>,
        %get3A_393 = vector.shape_cast %get3A_392 : vector<1x16xf32> to vector<16xf32>
        %mul3A_394 = arith.mulf %get3A_393, %broadcast_in_dim3A_335 : vector<16xf32>
        %swap3A_395 = arith.index_cast %add3A_339 : i32 to index
        %swap3A_396 = arith.constant 80 : index
        %swap3A_397 = tpu.vector_load %arg7[%swap3A_395, %swap3A_396] {strides = array<i32>} : memref<128x128xf32, #tpu.memory_space<vmem>>, vector<1x16xf32>,
        %swap3A_398 = vector.shape_cast %swap3A_397 : vector<1x16xf32> to vector<16xf32>
        %swap3A_399 = vector.shape_cast %mul3A_394 : vector<16xf32> to vector<1x16xf32>
        tpu.vector_store %arg7[%swap3A_395, %swap3A_396], %swap3A_399 {strides = array<i32>} : memref<128x128xf32, #tpu.memory_space<vmem>>, vector<1x16xf32>,
        %get3A_400 = arith.index_cast %add3A_339 : i32 to index
        %get3A_401 = arith.constant 96 : index
        %get3A_402 = tpu.vector_load %arg7[%get3A_400, %get3A_401] {strides = array<i32>} : memref<128x128xf32, #tpu.memory_space<vmem>>, vector<1x16xf32>,
        %get3A_403 = vector.shape_cast %get3A_402 : vector<1x16xf32> to vector<16xf32>
        %mul3A_404 = arith.mulf %get3A_403, %broadcast_in_dim3A_335 : vector<16xf32>
        %swap3A_405 = arith.index_cast %add3A_339 : i32 to index
        %swap3A_406 = arith.constant 96 : index
        %swap3A_407 = tpu.vector_load %arg7[%swap3A_405, %swap3A_406] {strides = array<i32>} : memref<128x128xf32, #tpu.memory_space<vmem>>, vector<1x16xf32>,
        %swap3A_408 = vector.shape_cast %swap3A_407 : vector<1x16xf32> to vector<16xf32>
        %swap3A_409 = vector.shape_cast %mul3A_404 : vector<16xf32> to vector<1x16xf32>
        tpu.vector_store %arg7[%swap3A_405, %swap3A_406], %swap3A_409 {strides = array<i32>} : memref<128x128xf32, #tpu.memory_space<vmem>>, vector<1x16xf32>,
        %get3A_410 = arith.index_cast %add3A_339 : i32 to index
        %get3A_411 = arith.constant 112 : index
        %get3A_412 = tpu.vector_load %arg7[%get3A_410, %get3A_411] {strides = array<i32>} : memref<128x128xf32, #tpu.memory_space<vmem>>, vector<1x16xf32>,
        %get3A_413 = vector.shape_cast %get3A_412 : vector<1x16xf32> to vector<16xf32>
        %mul3A_414 = arith.mulf %get3A_413, %broadcast_in_dim3A_335 : vector<16xf32>
        %swap3A_415 = arith.index_cast %add3A_339 : i32 to index
        %swap3A_416 = arith.constant 112 : index
        %swap3A_417 = tpu.vector_load %arg7[%swap3A_415, %swap3A_416] {strides = array<i32>} : memref<128x128xf32, #tpu.memory_space<vmem>>, vector<1x16xf32>,
        %swap3A_418 = vector.shape_cast %swap3A_417 : vector<1x16xf32> to vector<16xf32>
        %swap3A_419 = vector.shape_cast %mul3A_414 : vector<16xf32> to vector<1x16xf32>
        tpu.vector_store %arg7[%swap3A_415, %swap3A_416], %swap3A_419 {strides = array<i32>} : memref<128x128xf32, #tpu.memory_space<vmem>>, vector<1x16xf32>,
        %slice3A_420 = vector.extract_strided_slice %bitcast_convert_type3A {offsets = [4], sizes = [1], strides = [1]} : vector<16xf32> to vector<1xf32>
        %squeeze3A_421 = vector.extract %slice3A_420[0] : f32 from vector<1xf32>
        %broadcast_in_dim3A_422 = vector.broadcast %squeeze3A_421 : f32 to vector<16xf32>
        %mul3A_423 = arith.constant 16 : i32
        %mul3A_424 = arith.muli %scan3A_68, %mul3A_423 : i32
        %add3A_425 = arith.constant 4 : i32
        %add3A_426 = arith.addi %mul3A_424, %add3A_425 : i32
        %get3A_427 = arith.index_cast %add3A_426 : i32 to index
        %get3A_428 = arith.constant 0 : index
        %get3A_429 = tpu.vector_load %arg7[%get3A_427, %get3A_428] {strides = array<i32>} : memref<128x128xf32, #tpu.memory_space<vmem>>, vector<1x16xf32>,
        %get3A_430 = vector.shape_cast %get3A_429 : vector<1x16xf32> to vector<16xf32>
        %mul3A_431 = arith.mulf %get3A_430, %broadcast_in_dim3A_422 : vector<16xf32>
        %swap3A_432 = arith.index_cast %add3A_426 : i32 to index
        %swap3A_433 = arith.constant 0 : index
        %swap3A_434 = tpu.vector_load %arg7[%swap3A_432, %swap3A_433] {strides = array<i32>} : memref<128x128xf32, #tpu.memory_space<vmem>>, vector<1x16xf32>,
        %swap3A_435 = vector.shape_cast %swap3A_434 : vector<1x16xf32> to vector<16xf32>
        %swap3A_436 = vector.shape_cast %mul3A_431 : vector<16xf32> to vector<1x16xf32>
        tpu.vector_store %arg7[%swap3A_432, %swap3A_433], %swap3A_436 {strides = array<i32>} : memref<128x128xf32, #tpu.memory_space<vmem>>, vector<1x16xf32>,
        %get3A_437 = arith.index_cast %add3A_426 : i32 to index
        %get3A_438 = arith.constant 16 : index
        %get3A_439 = tpu.vector_load %arg7[%get3A_437, %get3A_438] {strides = array<i32>} : memref<128x128xf32, #tpu.memory_space<vmem>>, vector<1x16xf32>,
        %get3A_440 = vector.shape_cast %get3A_439 : vector<1x16xf32> to vector<16xf32>
        %mul3A_441 = arith.mulf %get3A_440, %broadcast_in_dim3A_422 : vector<16xf32>
        %swap3A_442 = arith.index_cast %add3A_426 : i32 to index
        %swap3A_443 = arith.constant 16 : index
        %swap3A_444 = tpu.vector_load %arg7[%swap3A_442, %swap3A_443] {strides = array<i32>} : memref<128x128xf32, #tpu.memory_space<vmem>>, vector<1x16xf32>,
        %swap3A_445 = vector.shape_cast %swap3A_444 : vector<1x16xf32> to vector<16xf32>
        %swap3A_446 = vector.shape_cast %mul3A_441 : vector<16xf32> to vector<1x16xf32>
        tpu.vector_store %arg7[%swap3A_442, %swap3A_443], %swap3A_446 {strides = array<i32>} : memref<128x128xf32, #tpu.memory_space<vmem>>, vector<1x16xf32>,
        %get3A_447 = arith.index_cast %add3A_426 : i32 to index
        %get3A_448 = arith.constant 32 : index
        %get3A_449 = tpu.vector_load %arg7[%get3A_447, %get3A_448] {strides = array<i32>} : memref<128x128xf32, #tpu.memory_space<vmem>>, vector<1x16xf32>,
        %get3A_450 = vector.shape_cast %get3A_449 : vector<1x16xf32> to vector<16xf32>
        %mul3A_451 = arith.mulf %get3A_450, %broadcast_in_dim3A_422 : vector<16xf32>
        %swap3A_452 = arith.index_cast %add3A_426 : i32 to index
        %swap3A_453 = arith.constant 32 : index
        %swap3A_454 = tpu.vector_load %arg7[%swap3A_452, %swap3A_453] {strides = array<i32>} : memref<128x128xf32, #tpu.memory_space<vmem>>, vector<1x16xf32>,
        %swap3A_455 = vector.shape_cast %swap3A_454 : vector<1x16xf32> to vector<16xf32>
        %swap3A_456 = vector.shape_cast %mul3A_451 : vector<16xf32> to vector<1x16xf32>
        tpu.vector_store %arg7[%swap3A_452, %swap3A_453], %swap3A_456 {strides = array<i32>} : memref<128x128xf32, #tpu.memory_space<vmem>>, vector<1x16xf32>,
        %get3A_457 = arith.index_cast %add3A_426 : i32 to index
        %get3A_458 = arith.constant 48 : index
        %get3A_459 = tpu.vector_load %arg7[%get3A_457, %get3A_458] {strides = array<i32>} : memref<128x128xf32, #tpu.memory_space<vmem>>, vector<1x16xf32>,
        %get3A_460 = vector.shape_cast %get3A_459 : vector<1x16xf32> to vector<16xf32>
        %mul3A_461 = arith.mulf %get3A_460, %broadcast_in_dim3A_422 : vector<16xf32>
        %swap3A_462 = arith.index_cast %add3A_426 : i32 to index
        %swap3A_463 = arith.constant 48 : index
        %swap3A_464 = tpu.vector_load %arg7[%swap3A_462, %swap3A_463] {strides = array<i32>} : memref<128x128xf32, #tpu.memory_space<vmem>>, vector<1x16xf32>,
        %swap3A_465 = vector.shape_cast %swap3A_464 : vector<1x16xf32> to vector<16xf32>
        %swap3A_466 = vector.shape_cast %mul3A_461 : vector<16xf32> to vector<1x16xf32>
        tpu.vector_store %arg7[%swap3A_462, %swap3A_463], %swap3A_466 {strides = array<i32>} : memref<128x128xf32, #tpu.memory_space<vmem>>, vector<1x16xf32>,
        %get3A_467 = arith.index_cast %add3A_426 : i32 to index
        %get3A_468 = arith.constant 64 : index
        %get3A_469 = tpu.vector_load %arg7[%get3A_467, %get3A_468] {strides = array<i32>} : memref<128x128xf32, #tpu.memory_space<vmem>>, vector<1x16xf32>,
        %get3A_470 = vector.shape_cast %get3A_469 : vector<1x16xf32> to vector<16xf32>
        %mul3A_471 = arith.mulf %get3A_470, %broadcast_in_dim3A_422 : vector<16xf32>
        %swap3A_472 = arith.index_cast %add3A_426 : i32 to index
        %swap3A_473 = arith.constant 64 : index
        %swap3A_474 = tpu.vector_load %arg7[%swap3A_472, %swap3A_473] {strides = array<i32>} : memref<128x128xf32, #tpu.memory_space<vmem>>, vector<1x16xf32>,
        %swap3A_475 = vector.shape_cast %swap3A_474 : vector<1x16xf32> to vector<16xf32>
        %swap3A_476 = vector.shape_cast %mul3A_471 : vector<16xf32> to vector<1x16xf32>
        tpu.vector_store %arg7[%swap3A_472, %swap3A_473], %swap3A_476 {strides = array<i32>} : memref<128x128xf32, #tpu.memory_space<vmem>>, vector<1x16xf32>,
        %get3A_477 = arith.index_cast %add3A_426 : i32 to index
        %get3A_478 = arith.constant 80 : index
        %get3A_479 = tpu.vector_load %arg7[%get3A_477, %get3A_478] {strides = array<i32>} : memref<128x128xf32, #tpu.memory_space<vmem>>, vector<1x16xf32>,
        %get3A_480 = vector.shape_cast %get3A_479 : vector<1x16xf32> to vector<16xf32>
        %mul3A_481 = arith.mulf %get3A_480, %broadcast_in_dim3A_422 : vector<16xf32>
        %swap3A_482 = arith.index_cast %add3A_426 : i32 to index
        %swap3A_483 = arith.constant 80 : index
        %swap3A_484 = tpu.vector_load %arg7[%swap3A_482, %swap3A_483] {strides = array<i32>} : memref<128x128xf32, #tpu.memory_space<vmem>>, vector<1x16xf32>,
        %swap3A_485 = vector.shape_cast %swap3A_484 : vector<1x16xf32> to vector<16xf32>
        %swap3A_486 = vector.shape_cast %mul3A_481 : vector<16xf32> to vector<1x16xf32>
        tpu.vector_store %arg7[%swap3A_482, %swap3A_483], %swap3A_486 {strides = array<i32>} : memref<128x128xf32, #tpu.memory_space<vmem>>, vector<1x16xf32>,
        %get3A_487 = arith.index_cast %add3A_426 : i32 to index
        %get3A_488 = arith.constant 96 : index
        %get3A_489 = tpu.vector_load %arg7[%get3A_487, %get3A_488] {strides = array<i32>} : memref<128x128xf32, #tpu.memory_space<vmem>>, vector<1x16xf32>,
        %get3A_490 = vector.shape_cast %get3A_489 : vector<1x16xf32> to vector<16xf32>
        %mul3A_491 = arith.mulf %get3A_490, %broadcast_in_dim3A_422 : vector<16xf32>
        %swap3A_492 = arith.index_cast %add3A_426 : i32 to index
        %swap3A_493 = arith.constant 96 : index
        %swap3A_494 = tpu.vector_load %arg7[%swap3A_492, %swap3A_493] {strides = array<i32>} : memref<128x128xf32, #tpu.memory_space<vmem>>, vector<1x16xf32>,
        %swap3A_495 = vector.shape_cast %swap3A_494 : vector<1x16xf32> to vector<16xf32>
        %swap3A_496 = vector.shape_cast %mul3A_491 : vector<16xf32> to vector<1x16xf32>
        tpu.vector_store %arg7[%swap3A_492, %swap3A_493], %swap3A_496 {strides = array<i32>} : memref<128x128xf32, #tpu.memory_space<vmem>>, vector<1x16xf32>,
        %get3A_497 = arith.index_cast %add3A_426 : i32 to index
        %get3A_498 = arith.constant 112 : index
        %get3A_499 = tpu.vector_load %arg7[%get3A_497, %get3A_498] {strides = array<i32>} : memref<128x128xf32, #tpu.memory_space<vmem>>, vector<1x16xf32>,
        %get3A_500 = vector.shape_cast %get3A_499 : vector<1x16xf32> to vector<16xf32>
        %mul3A_501 = arith.mulf %get3A_500, %broadcast_in_dim3A_422 : vector<16xf32>
        %swap3A_502 = arith.index_cast %add3A_426 : i32 to index
        %swap3A_503 = arith.constant 112 : index
        %swap3A_504 = tpu.vector_load %arg7[%swap3A_502, %swap3A_503] {strides = array<i32>} : memref<128x128xf32, #tpu.memory_space<vmem>>, vector<1x16xf32>,
        %swap3A_505 = vector.shape_cast %swap3A_504 : vector<1x16xf32> to vector<16xf32>
        %swap3A_506 = vector.shape_cast %mul3A_501 : vector<16xf32> to vector<1x16xf32>
        tpu.vector_store %arg7[%swap3A_502, %swap3A_503], %swap3A_506 {strides = array<i32>} : memref<128x128xf32, #tpu.memory_space<vmem>>, vector<1x16xf32>,
        %slice3A_507 = vector.extract_strided_slice %bitcast_convert_type3A {offsets = [5], sizes = [1], strides = [1]} : vector<16xf32> to vector<1xf32>
        %squeeze3A_508 = vector.extract %slice3A_507[0] : f32 from vector<1xf32>
        %broadcast_in_dim3A_509 = vector.broadcast %squeeze3A_508 : f32 to vector<16xf32>
        %mul3A_510 = arith.constant 16 : i32
        %mul3A_511 = arith.muli %scan3A_68, %mul3A_510 : i32
        %add3A_512 = arith.constant 5 : i32
        %add3A_513 = arith.addi %mul3A_511, %add3A_512 : i32
        %get3A_514 = arith.index_cast %add3A_513 : i32 to index
        %get3A_515 = arith.constant 0 : index
        %get3A_516 = tpu.vector_load %arg7[%get3A_514, %get3A_515] {strides = array<i32>} : memref<128x128xf32, #tpu.memory_space<vmem>>, vector<1x16xf32>,
        %get3A_517 = vector.shape_cast %get3A_516 : vector<1x16xf32> to vector<16xf32>
        %mul3A_518 = arith.mulf %get3A_517, %broadcast_in_dim3A_509 : vector<16xf32>
        %swap3A_519 = arith.index_cast %add3A_513 : i32 to index
        %swap3A_520 = arith.constant 0 : index
        %swap3A_521 = tpu.vector_load %arg7[%swap3A_519, %swap3A_520] {strides = array<i32>} : memref<128x128xf32, #tpu.memory_space<vmem>>, vector<1x16xf32>,
        %swap3A_522 = vector.shape_cast %swap3A_521 : vector<1x16xf32> to vector<16xf32>
        %swap3A_523 = vector.shape_cast %mul3A_518 : vector<16xf32> to vector<1x16xf32>
        tpu.vector_store %arg7[%swap3A_519, %swap3A_520], %swap3A_523 {strides = array<i32>} : memref<128x128xf32, #tpu.memory_space<vmem>>, vector<1x16xf32>,
        %get3A_524 = arith.index_cast %add3A_513 : i32 to index
        %get3A_525 = arith.constant 16 : index
        %get3A_526 = tpu.vector_load %arg7[%get3A_524, %get3A_525] {strides = array<i32>} : memref<128x128xf32, #tpu.memory_space<vmem>>, vector<1x16xf32>,
        %get3A_527 = vector.shape_cast %get3A_526 : vector<1x16xf32> to vector<16xf32>
        %mul3A_528 = arith.mulf %get3A_527, %broadcast_in_dim3A_509 : vector<16xf32>
        %swap3A_529 = arith.index_cast %add3A_513 : i32 to index
        %swap3A_530 = arith.constant 16 : index
        %swap3A_531 = tpu.vector_load %arg7[%swap3A_529, %swap3A_530] {strides = array<i32>} : memref<128x128xf32, #tpu.memory_space<vmem>>, vector<1x16xf32>,
        %swap3A_532 = vector.shape_cast %swap3A_531 : vector<1x16xf32> to vector<16xf32>
        %swap3A_533 = vector.shape_cast %mul3A_528 : vector<16xf32> to vector<1x16xf32>
        tpu.vector_store %arg7[%swap3A_529, %swap3A_530], %swap3A_533 {strides = array<i32>} : memref<128x128xf32, #tpu.memory_space<vmem>>, vector<1x16xf32>,
        %get3A_534 = arith.index_cast %add3A_513 : i32 to index
        %get3A_535 = arith.constant 32 : index
        %get3A_536 = tpu.vector_load %arg7[%get3A_534, %get3A_535] {strides = array<i32>} : memref<128x128xf32, #tpu.memory_space<vmem>>, vector<1x16xf32>,
        %get3A_537 = vector.shape_cast %get3A_536 : vector<1x16xf32> to vector<16xf32>
        %mul3A_538 = arith.mulf %get3A_537, %broadcast_in_dim3A_509 : vector<16xf32>
        %swap3A_539 = arith.index_cast %add3A_513 : i32 to index
        %swap3A_540 = arith.constant 32 : index
        %swap3A_541 = tpu.vector_load %arg7[%swap3A_539, %swap3A_540] {strides = array<i32>} : memref<128x128xf32, #tpu.memory_space<vmem>>, vector<1x16xf32>,
        %swap3A_542 = vector.shape_cast %swap3A_541 : vector<1x16xf32> to vector<16xf32>
        %swap3A_543 = vector.shape_cast %mul3A_538 : vector<16xf32> to vector<1x16xf32>
        tpu.vector_store %arg7[%swap3A_539, %swap3A_540], %swap3A_543 {strides = array<i32>} : memref<128x128xf32, #tpu.memory_space<vmem>>, vector<1x16xf32>,
        %get3A_544 = arith.index_cast %add3A_513 : i32 to index
        %get3A_545 = arith.constant 48 : index
        %get3A_546 = tpu.vector_load %arg7[%get3A_544, %get3A_545] {strides = array<i32>} : memref<128x128xf32, #tpu.memory_space<vmem>>, vector<1x16xf32>,
        %get3A_547 = vector.shape_cast %get3A_546 : vector<1x16xf32> to vector<16xf32>
        %mul3A_548 = arith.mulf %get3A_547, %broadcast_in_dim3A_509 : vector<16xf32>
        %swap3A_549 = arith.index_cast %add3A_513 : i32 to index
        %swap3A_550 = arith.constant 48 : index
        %swap3A_551 = tpu.vector_load %arg7[%swap3A_549, %swap3A_550] {strides = array<i32>} : memref<128x128xf32, #tpu.memory_space<vmem>>, vector<1x16xf32>,
        %swap3A_552 = vector.shape_cast %swap3A_551 : vector<1x16xf32> to vector<16xf32>
        %swap3A_553 = vector.shape_cast %mul3A_548 : vector<16xf32> to vector<1x16xf32>
        tpu.vector_store %arg7[%swap3A_549, %swap3A_550], %swap3A_553 {strides = array<i32>} : memref<128x128xf32, #tpu.memory_space<vmem>>, vector<1x16xf32>,
        %get3A_554 = arith.index_cast %add3A_513 : i32 to index
        %get3A_555 = arith.constant 64 : index
        %get3A_556 = tpu.vector_load %arg7[%get3A_554, %get3A_555] {strides = array<i32>} : memref<128x128xf32, #tpu.memory_space<vmem>>, vector<1x16xf32>,
        %get3A_557 = vector.shape_cast %get3A_556 : vector<1x16xf32> to vector<16xf32>
        %mul3A_558 = arith.mulf %get3A_557, %broadcast_in_dim3A_509 : vector<16xf32>
        %swap3A_559 = arith.index_cast %add3A_513 : i32 to index
        %swap3A_560 = arith.constant 64 : index
        %swap3A_561 = tpu.vector_load %arg7[%swap3A_559, %swap3A_560] {strides = array<i32>} : memref<128x128xf32, #tpu.memory_space<vmem>>, vector<1x16xf32>,
        %swap3A_562 = vector.shape_cast %swap3A_561 : vector<1x16xf32> to vector<16xf32>
        %swap3A_563 = vector.shape_cast %mul3A_558 : vector<16xf32> to vector<1x16xf32>
        tpu.vector_store %arg7[%swap3A_559, %swap3A_560], %swap3A_563 {strides = array<i32>} : memref<128x128xf32, #tpu.memory_space<vmem>>, vector<1x16xf32>,
        %get3A_564 = arith.index_cast %add3A_513 : i32 to index
        %get3A_565 = arith.constant 80 : index
        %get3A_566 = tpu.vector_load %arg7[%get3A_564, %get3A_565] {strides = array<i32>} : memref<128x128xf32, #tpu.memory_space<vmem>>, vector<1x16xf32>,
        %get3A_567 = vector.shape_cast %get3A_566 : vector<1x16xf32> to vector<16xf32>
        %mul3A_568 = arith.mulf %get3A_567, %broadcast_in_dim3A_509 : vector<16xf32>
        %swap3A_569 = arith.index_cast %add3A_513 : i32 to index
        %swap3A_570 = arith.constant 80 : index
        %swap3A_571 = tpu.vector_load %arg7[%swap3A_569, %swap3A_570] {strides = array<i32>} : memref<128x128xf32, #tpu.memory_space<vmem>>, vector<1x16xf32>,
        %swap3A_572 = vector.shape_cast %swap3A_571 : vector<1x16xf32> to vector<16xf32>
        %swap3A_573 = vector.shape_cast %mul3A_568 : vector<16xf32> to vector<1x16xf32>
        tpu.vector_store %arg7[%swap3A_569, %swap3A_570], %swap3A_573 {strides = array<i32>} : memref<128x128xf32, #tpu.memory_space<vmem>>, vector<1x16xf32>,
        %get3A_574 = arith.index_cast %add3A_513 : i32 to index
        %get3A_575 = arith.constant 96 : index
        %get3A_576 = tpu.vector_load %arg7[%get3A_574, %get3A_575] {strides = array<i32>} : memref<128x128xf32, #tpu.memory_space<vmem>>, vector<1x16xf32>,
        %get3A_577 = vector.shape_cast %get3A_576 : vector<1x16xf32> to vector<16xf32>
        %mul3A_578 = arith.mulf %get3A_577, %broadcast_in_dim3A_509 : vector<16xf32>
        %swap3A_579 = arith.index_cast %add3A_513 : i32 to index
        %swap3A_580 = arith.constant 96 : index
        %swap3A_581 = tpu.vector_load %arg7[%swap3A_579, %swap3A_580] {strides = array<i32>} : memref<128x128xf32, #tpu.memory_space<vmem>>, vector<1x16xf32>,
        %swap3A_582 = vector.shape_cast %swap3A_581 : vector<1x16xf32> to vector<16xf32>
        %swap3A_583 = vector.shape_cast %mul3A_578 : vector<16xf32> to vector<1x16xf32>
        tpu.vector_store %arg7[%swap3A_579, %swap3A_580], %swap3A_583 {strides = array<i32>} : memref<128x128xf32, #tpu.memory_space<vmem>>, vector<1x16xf32>,
        %get3A_584 = arith.index_cast %add3A_513 : i32 to index
        %get3A_585 = arith.constant 112 : index
        %get3A_586 = tpu.vector_load %arg7[%get3A_584, %get3A_585] {strides = array<i32>} : memref<128x128xf32, #tpu.memory_space<vmem>>, vector<1x16xf32>,
        %get3A_587 = vector.shape_cast %get3A_586 : vector<1x16xf32> to vector<16xf32>
        %mul3A_588 = arith.mulf %get3A_587, %broadcast_in_dim3A_509 : vector<16xf32>
        %swap3A_589 = arith.index_cast %add3A_513 : i32 to index
        %swap3A_590 = arith.constant 112 : index
        %swap3A_591 = tpu.vector_load %arg7[%swap3A_589, %swap3A_590] {strides = array<i32>} : memref<128x128xf32, #tpu.memory_space<vmem>>, vector<1x16xf32>,
        %swap3A_592 = vector.shape_cast %swap3A_591 : vector<1x16xf32> to vector<16xf32>
        %swap3A_593 = vector.shape_cast %mul3A_588 : vector<16xf32> to vector<1x16xf32>
        tpu.vector_store %arg7[%swap3A_589, %swap3A_590], %swap3A_593 {strides = array<i32>} : memref<128x128xf32, #tpu.memory_space<vmem>>, vector<1x16xf32>,
        %slice3A_594 = vector.extract_strided_slice %bitcast_convert_type3A {offsets = [6], sizes = [1], strides = [1]} : vector<16xf32> to vector<1xf32>
        %squeeze3A_595 = vector.extract %slice3A_594[0] : f32 from vector<1xf32>
        %broadcast_in_dim3A_596 = vector.broadcast %squeeze3A_595 : f32 to vector<16xf32>
        %mul3A_597 = arith.constant 16 : i32
        %mul3A_598 = arith.muli %scan3A_68, %mul3A_597 : i32
        %add3A_599 = arith.constant 6 : i32
        %add3A_600 = arith.addi %mul3A_598, %add3A_599 : i32
        %get3A_601 = arith.index_cast %add3A_600 : i32 to index
        %get3A_602 = arith.constant 0 : index
        %get3A_603 = tpu.vector_load %arg7[%get3A_601, %get3A_602] {strides = array<i32>} : memref<128x128xf32, #tpu.memory_space<vmem>>, vector<1x16xf32>,
        %get3A_604 = vector.shape_cast %get3A_603 : vector<1x16xf32> to vector<16xf32>
        %mul3A_605 = arith.mulf %get3A_604, %broadcast_in_dim3A_596 : vector<16xf32>
        %swap3A_606 = arith.index_cast %add3A_600 : i32 to index
        %swap3A_607 = arith.constant 0 : index
        %swap3A_608 = tpu.vector_load %arg7[%swap3A_606, %swap3A_607] {strides = array<i32>} : memref<128x128xf32, #tpu.memory_space<vmem>>, vector<1x16xf32>,
        %swap3A_609 = vector.shape_cast %swap3A_608 : vector<1x16xf32> to vector<16xf32>
        %swap3A_610 = vector.shape_cast %mul3A_605 : vector<16xf32> to vector<1x16xf32>
        tpu.vector_store %arg7[%swap3A_606, %swap3A_607], %swap3A_610 {strides = array<i32>} : memref<128x128xf32, #tpu.memory_space<vmem>>, vector<1x16xf32>,
        %get3A_611 = arith.index_cast %add3A_600 : i32 to index
        %get3A_612 = arith.constant 16 : index
        %get3A_613 = tpu.vector_load %arg7[%get3A_611, %get3A_612] {strides = array<i32>} : memref<128x128xf32, #tpu.memory_space<vmem>>, vector<1x16xf32>,
        %get3A_614 = vector.shape_cast %get3A_613 : vector<1x16xf32> to vector<16xf32>
        %mul3A_615 = arith.mulf %get3A_614, %broadcast_in_dim3A_596 : vector<16xf32>
        %swap3A_616 = arith.index_cast %add3A_600 : i32 to index
        %swap3A_617 = arith.constant 16 : index
        %swap3A_618 = tpu.vector_load %arg7[%swap3A_616, %swap3A_617] {strides = array<i32>} : memref<128x128xf32, #tpu.memory_space<vmem>>, vector<1x16xf32>,
        %swap3A_619 = vector.shape_cast %swap3A_618 : vector<1x16xf32> to vector<16xf32>
        %swap3A_620 = vector.shape_cast %mul3A_615 : vector<16xf32> to vector<1x16xf32>
        tpu.vector_store %arg7[%swap3A_616, %swap3A_617], %swap3A_620 {strides = array<i32>} : memref<128x128xf32, #tpu.memory_space<vmem>>, vector<1x16xf32>,
        %get3A_621 = arith.index_cast %add3A_600 : i32 to index
        %get3A_622 = arith.constant 32 : index
        %get3A_623 = tpu.vector_load %arg7[%get3A_621, %get3A_622] {strides = array<i32>} : memref<128x128xf32, #tpu.memory_space<vmem>>, vector<1x16xf32>,
        %get3A_624 = vector.shape_cast %get3A_623 : vector<1x16xf32> to vector<16xf32>
        %mul3A_625 = arith.mulf %get3A_624, %broadcast_in_dim3A_596 : vector<16xf32>
        %swap3A_626 = arith.index_cast %add3A_600 : i32 to index
        %swap3A_627 = arith.constant 32 : index
        %swap3A_628 = tpu.vector_load %arg7[%swap3A_626, %swap3A_627] {strides = array<i32>} : memref<128x128xf32, #tpu.memory_space<vmem>>, vector<1x16xf32>,
        %swap3A_629 = vector.shape_cast %swap3A_628 : vector<1x16xf32> to vector<16xf32>
        %swap3A_630 = vector.shape_cast %mul3A_625 : vector<16xf32> to vector<1x16xf32>
        tpu.vector_store %arg7[%swap3A_626, %swap3A_627], %swap3A_630 {strides = array<i32>} : memref<128x128xf32, #tpu.memory_space<vmem>>, vector<1x16xf32>,
        %get3A_631 = arith.index_cast %add3A_600 : i32 to index
        %get3A_632 = arith.constant 48 : index
        %get3A_633 = tpu.vector_load %arg7[%get3A_631, %get3A_632] {strides = array<i32>} : memref<128x128xf32, #tpu.memory_space<vmem>>, vector<1x16xf32>,
        %get3A_634 = vector.shape_cast %get3A_633 : vector<1x16xf32> to vector<16xf32>
        %mul3A_635 = arith.mulf %get3A_634, %broadcast_in_dim3A_596 : vector<16xf32>
        %swap3A_636 = arith.index_cast %add3A_600 : i32 to index
        %swap3A_637 = arith.constant 48 : index
        %swap3A_638 = tpu.vector_load %arg7[%swap3A_636, %swap3A_637] {strides = array<i32>} : memref<128x128xf32, #tpu.memory_space<vmem>>, vector<1x16xf32>,
        %swap3A_639 = vector.shape_cast %swap3A_638 : vector<1x16xf32> to vector<16xf32>
        %swap3A_640 = vector.shape_cast %mul3A_635 : vector<16xf32> to vector<1x16xf32>
        tpu.vector_store %arg7[%swap3A_636, %swap3A_637], %swap3A_640 {strides = array<i32>} : memref<128x128xf32, #tpu.memory_space<vmem>>, vector<1x16xf32>,
        %get3A_641 = arith.index_cast %add3A_600 : i32 to index
        %get3A_642 = arith.constant 64 : index
        %get3A_643 = tpu.vector_load %arg7[%get3A_641, %get3A_642] {strides = array<i32>} : memref<128x128xf32, #tpu.memory_space<vmem>>, vector<1x16xf32>,
        %get3A_644 = vector.shape_cast %get3A_643 : vector<1x16xf32> to vector<16xf32>
        %mul3A_645 = arith.mulf %get3A_644, %broadcast_in_dim3A_596 : vector<16xf32>
        %swap3A_646 = arith.index_cast %add3A_600 : i32 to index
        %swap3A_647 = arith.constant 64 : index
        %swap3A_648 = tpu.vector_load %arg7[%swap3A_646, %swap3A_647] {strides = array<i32>} : memref<128x128xf32, #tpu.memory_space<vmem>>, vector<1x16xf32>,
        %swap3A_649 = vector.shape_cast %swap3A_648 : vector<1x16xf32> to vector<16xf32>
        %swap3A_650 = vector.shape_cast %mul3A_645 : vector<16xf32> to vector<1x16xf32>
        tpu.vector_store %arg7[%swap3A_646, %swap3A_647], %swap3A_650 {strides = array<i32>} : memref<128x128xf32, #tpu.memory_space<vmem>>, vector<1x16xf32>,
        %get3A_651 = arith.index_cast %add3A_600 : i32 to index
        %get3A_652 = arith.constant 80 : index
        %get3A_653 = tpu.vector_load %arg7[%get3A_651, %get3A_652] {strides = array<i32>} : memref<128x128xf32, #tpu.memory_space<vmem>>, vector<1x16xf32>,
        %get3A_654 = vector.shape_cast %get3A_653 : vector<1x16xf32> to vector<16xf32>
        %mul3A_655 = arith.mulf %get3A_654, %broadcast_in_dim3A_596 : vector<16xf32>
        %swap3A_656 = arith.index_cast %add3A_600 : i32 to index
        %swap3A_657 = arith.constant 80 : index
        %swap3A_658 = tpu.vector_load %arg7[%swap3A_656, %swap3A_657] {strides = array<i32>} : memref<128x128xf32, #tpu.memory_space<vmem>>, vector<1x16xf32>,
        %swap3A_659 = vector.shape_cast %swap3A_658 : vector<1x16xf32> to vector<16xf32>
        %swap3A_660 = vector.shape_cast %mul3A_655 : vector<16xf32> to vector<1x16xf32>
        tpu.vector_store %arg7[%swap3A_656, %swap3A_657], %swap3A_660 {strides = array<i32>} : memref<128x128xf32, #tpu.memory_space<vmem>>, vector<1x16xf32>,
        %get3A_661 = arith.index_cast %add3A_600 : i32 to index
        %get3A_662 = arith.constant 96 : index
        %get3A_663 = tpu.vector_load %arg7[%get3A_661, %get3A_662] {strides = array<i32>} : memref<128x128xf32, #tpu.memory_space<vmem>>, vector<1x16xf32>,
        %get3A_664 = vector.shape_cast %get3A_663 : vector<1x16xf32> to vector<16xf32>
        %mul3A_665 = arith.mulf %get3A_664, %broadcast_in_dim3A_596 : vector<16xf32>
        %swap3A_666 = arith.index_cast %add3A_600 : i32 to index
        %swap3A_667 = arith.constant 96 : index
        %swap3A_668 = tpu.vector_load %arg7[%swap3A_666, %swap3A_667] {strides = array<i32>} : memref<128x128xf32, #tpu.memory_space<vmem>>, vector<1x16xf32>,
        %swap3A_669 = vector.shape_cast %swap3A_668 : vector<1x16xf32> to vector<16xf32>
        %swap3A_670 = vector.shape_cast %mul3A_665 : vector<16xf32> to vector<1x16xf32>
        tpu.vector_store %arg7[%swap3A_666, %swap3A_667], %swap3A_670 {strides = array<i32>} : memref<128x128xf32, #tpu.memory_space<vmem>>, vector<1x16xf32>,
        %get3A_671 = arith.index_cast %add3A_600 : i32 to index
        %get3A_672 = arith.constant 112 : index
        %get3A_673 = tpu.vector_load %arg7[%get3A_671, %get3A_672] {strides = array<i32>} : memref<128x128xf32, #tpu.memory_space<vmem>>, vector<1x16xf32>,
        %get3A_674 = vector.shape_cast %get3A_673 : vector<1x16xf32> to vector<16xf32>
        %mul3A_675 = arith.mulf %get3A_674, %broadcast_in_dim3A_596 : vector<16xf32>
        %swap3A_676 = arith.index_cast %add3A_600 : i32 to index
        %swap3A_677 = arith.constant 112 : index
        %swap3A_678 = tpu.vector_load %arg7[%swap3A_676, %swap3A_677] {strides = array<i32>} : memref<128x128xf32, #tpu.memory_space<vmem>>, vector<1x16xf32>,
        %swap3A_679 = vector.shape_cast %swap3A_678 : vector<1x16xf32> to vector<16xf32>
        %swap3A_680 = vector.shape_cast %mul3A_675 : vector<16xf32> to vector<1x16xf32>
        tpu.vector_store %arg7[%swap3A_676, %swap3A_677], %swap3A_680 {strides = array<i32>} : memref<128x128xf32, #tpu.memory_space<vmem>>, vector<1x16xf32>,
        %slice3A_681 = vector.extract_strided_slice %bitcast_convert_type3A {offsets = [7], sizes = [1], strides = [1]} : vector<16xf32> to vector<1xf32>
        %squeeze3A_682 = vector.extract %slice3A_681[0] : f32 from vector<1xf32>
        %broadcast_in_dim3A_683 = vector.broadcast %squeeze3A_682 : f32 to vector<16xf32>
        %mul3A_684 = arith.constant 16 : i32
        %mul3A_685 = arith.muli %scan3A_68, %mul3A_684 : i32
        %add3A_686 = arith.constant 7 : i32
        %add3A_687 = arith.addi %mul3A_685, %add3A_686 : i32
        %get3A_688 = arith.index_cast %add3A_687 : i32 to index
        %get3A_689 = arith.constant 0 : index
        %get3A_690 = tpu.vector_load %arg7[%get3A_688, %get3A_689] {strides = array<i32>} : memref<128x128xf32, #tpu.memory_space<vmem>>, vector<1x16xf32>,
        %get3A_691 = vector.shape_cast %get3A_690 : vector<1x16xf32> to vector<16xf32>
        %mul3A_692 = arith.mulf %get3A_691, %broadcast_in_dim3A_683 : vector<16xf32>
        %swap3A_693 = arith.index_cast %add3A_687 : i32 to index
        %swap3A_694 = arith.constant 0 : index
        %swap3A_695 = tpu.vector_load %arg7[%swap3A_693, %swap3A_694] {strides = array<i32>} : memref<128x128xf32, #tpu.memory_space<vmem>>, vector<1x16xf32>,
        %swap3A_696 = vector.shape_cast %swap3A_695 : vector<1x16xf32> to vector<16xf32>
        %swap3A_697 = vector.shape_cast %mul3A_692 : vector<16xf32> to vector<1x16xf32>
        tpu.vector_store %arg7[%swap3A_693, %swap3A_694], %swap3A_697 {strides = array<i32>} : memref<128x128xf32, #tpu.memory_space<vmem>>, vector<1x16xf32>,
        %get3A_698 = arith.index_cast %add3A_687 : i32 to index
        %get3A_699 = arith.constant 16 : index
        %get3A_700 = tpu.vector_load %arg7[%get3A_698, %get3A_699] {strides = array<i32>} : memref<128x128xf32, #tpu.memory_space<vmem>>, vector<1x16xf32>,
        %get3A_701 = vector.shape_cast %get3A_700 : vector<1x16xf32> to vector<16xf32>
        %mul3A_702 = arith.mulf %get3A_701, %broadcast_in_dim3A_683 : vector<16xf32>
        %swap3A_703 = arith.index_cast %add3A_687 : i32 to index
        %swap3A_704 = arith.constant 16 : index
        %swap3A_705 = tpu.vector_load %arg7[%swap3A_703, %swap3A_704] {strides = array<i32>} : memref<128x128xf32, #tpu.memory_space<vmem>>, vector<1x16xf32>,
        %swap3A_706 = vector.shape_cast %swap3A_705 : vector<1x16xf32> to vector<16xf32>
        %swap3A_707 = vector.shape_cast %mul3A_702 : vector<16xf32> to vector<1x16xf32>
        tpu.vector_store %arg7[%swap3A_703, %swap3A_704], %swap3A_707 {strides = array<i32>} : memref<128x128xf32, #tpu.memory_space<vmem>>, vector<1x16xf32>,
        %get3A_708 = arith.index_cast %add3A_687 : i32 to index
        %get3A_709 = arith.constant 32 : index
        %get3A_710 = tpu.vector_load %arg7[%get3A_708, %get3A_709] {strides = array<i32>} : memref<128x128xf32, #tpu.memory_space<vmem>>, vector<1x16xf32>,
        %get3A_711 = vector.shape_cast %get3A_710 : vector<1x16xf32> to vector<16xf32>
        %mul3A_712 = arith.mulf %get3A_711, %broadcast_in_dim3A_683 : vector<16xf32>
        %swap3A_713 = arith.index_cast %add3A_687 : i32 to index
        %swap3A_714 = arith.constant 32 : index
        %swap3A_715 = tpu.vector_load %arg7[%swap3A_713, %swap3A_714] {strides = array<i32>} : memref<128x128xf32, #tpu.memory_space<vmem>>, vector<1x16xf32>,
        %swap3A_716 = vector.shape_cast %swap3A_715 : vector<1x16xf32> to vector<16xf32>
        %swap3A_717 = vector.shape_cast %mul3A_712 : vector<16xf32> to vector<1x16xf32>
        tpu.vector_store %arg7[%swap3A_713, %swap3A_714], %swap3A_717 {strides = array<i32>} : memref<128x128xf32, #tpu.memory_space<vmem>>, vector<1x16xf32>,
        %get3A_718 = arith.index_cast %add3A_687 : i32 to index
        %get3A_719 = arith.constant 48 : index
        %get3A_720 = tpu.vector_load %arg7[%get3A_718, %get3A_719] {strides = array<i32>} : memref<128x128xf32, #tpu.memory_space<vmem>>, vector<1x16xf32>,
        %get3A_721 = vector.shape_cast %get3A_720 : vector<1x16xf32> to vector<16xf32>
        %mul3A_722 = arith.mulf %get3A_721, %broadcast_in_dim3A_683 : vector<16xf32>
        %swap3A_723 = arith.index_cast %add3A_687 : i32 to index
        %swap3A_724 = arith.constant 48 : index
        %swap3A_725 = tpu.vector_load %arg7[%swap3A_723, %swap3A_724] {strides = array<i32>} : memref<128x128xf32, #tpu.memory_space<vmem>>, vector<1x16xf32>,
        %swap3A_726 = vector.shape_cast %swap3A_725 : vector<1x16xf32> to vector<16xf32>
        %swap3A_727 = vector.shape_cast %mul3A_722 : vector<16xf32> to vector<1x16xf32>
        tpu.vector_store %arg7[%swap3A_723, %swap3A_724], %swap3A_727 {strides = array<i32>} : memref<128x128xf32, #tpu.memory_space<vmem>>, vector<1x16xf32>,
        %get3A_728 = arith.index_cast %add3A_687 : i32 to index
        %get3A_729 = arith.constant 64 : index
        %get3A_730 = tpu.vector_load %arg7[%get3A_728, %get3A_729] {strides = array<i32>} : memref<128x128xf32, #tpu.memory_space<vmem>>, vector<1x16xf32>,
        %get3A_731 = vector.shape_cast %get3A_730 : vector<1x16xf32> to vector<16xf32>
        %mul3A_732 = arith.mulf %get3A_731, %broadcast_in_dim3A_683 : vector<16xf32>
        %swap3A_733 = arith.index_cast %add3A_687 : i32 to index
        %swap3A_734 = arith.constant 64 : index
        %swap3A_735 = tpu.vector_load %arg7[%swap3A_733, %swap3A_734] {strides = array<i32>} : memref<128x128xf32, #tpu.memory_space<vmem>>, vector<1x16xf32>,
        %swap3A_736 = vector.shape_cast %swap3A_735 : vector<1x16xf32> to vector<16xf32>
        %swap3A_737 = vector.shape_cast %mul3A_732 : vector<16xf32> to vector<1x16xf32>
        tpu.vector_store %arg7[%swap3A_733, %swap3A_734], %swap3A_737 {strides = array<i32>} : memref<128x128xf32, #tpu.memory_space<vmem>>, vector<1x16xf32>,
        %get3A_738 = arith.index_cast %add3A_687 : i32 to index
        %get3A_739 = arith.constant 80 : index
        %get3A_740 = tpu.vector_load %arg7[%get3A_738, %get3A_739] {strides = array<i32>} : memref<128x128xf32, #tpu.memory_space<vmem>>, vector<1x16xf32>,
        %get3A_741 = vector.shape_cast %get3A_740 : vector<1x16xf32> to vector<16xf32>
        %mul3A_742 = arith.mulf %get3A_741, %broadcast_in_dim3A_683 : vector<16xf32>
        %swap3A_743 = arith.index_cast %add3A_687 : i32 to index
        %swap3A_744 = arith.constant 80 : index
        %swap3A_745 = tpu.vector_load %arg7[%swap3A_743, %swap3A_744] {strides = array<i32>} : memref<128x128xf32, #tpu.memory_space<vmem>>, vector<1x16xf32>,
        %swap3A_746 = vector.shape_cast %swap3A_745 : vector<1x16xf32> to vector<16xf32>
        %swap3A_747 = vector.shape_cast %mul3A_742 : vector<16xf32> to vector<1x16xf32>
        tpu.vector_store %arg7[%swap3A_743, %swap3A_744], %swap3A_747 {strides = array<i32>} : memref<128x128xf32, #tpu.memory_space<vmem>>, vector<1x16xf32>,
        %get3A_748 = arith.index_cast %add3A_687 : i32 to index
        %get3A_749 = arith.constant 96 : index
        %get3A_750 = tpu.vector_load %arg7[%get3A_748, %get3A_749] {strides = array<i32>} : memref<128x128xf32, #tpu.memory_space<vmem>>, vector<1x16xf32>,
        %get3A_751 = vector.shape_cast %get3A_750 : vector<1x16xf32> to vector<16xf32>
        %mul3A_752 = arith.mulf %get3A_751, %broadcast_in_dim3A_683 : vector<16xf32>
        %swap3A_753 = arith.index_cast %add3A_687 : i32 to index
        %swap3A_754 = arith.constant 96 : index
        %swap3A_755 = tpu.vector_load %arg7[%swap3A_753, %swap3A_754] {strides = array<i32>} : memref<128x128xf32, #tpu.memory_space<vmem>>, vector<1x16xf32>,
        %swap3A_756 = vector.shape_cast %swap3A_755 : vector<1x16xf32> to vector<16xf32>
        %swap3A_757 = vector.shape_cast %mul3A_752 : vector<16xf32> to vector<1x16xf32>
        tpu.vector_store %arg7[%swap3A_753, %swap3A_754], %swap3A_757 {strides = array<i32>} : memref<128x128xf32, #tpu.memory_space<vmem>>, vector<1x16xf32>,
        %get3A_758 = arith.index_cast %add3A_687 : i32 to index
        %get3A_759 = arith.constant 112 : index
        %get3A_760 = tpu.vector_load %arg7[%get3A_758, %get3A_759] {strides = array<i32>} : memref<128x128xf32, #tpu.memory_space<vmem>>, vector<1x16xf32>,
        %get3A_761 = vector.shape_cast %get3A_760 : vector<1x16xf32> to vector<16xf32>
        %mul3A_762 = arith.mulf %get3A_761, %broadcast_in_dim3A_683 : vector<16xf32>
        %swap3A_763 = arith.index_cast %add3A_687 : i32 to index
        %swap3A_764 = arith.constant 112 : index
        %swap3A_765 = tpu.vector_load %arg7[%swap3A_763, %swap3A_764] {strides = array<i32>} : memref<128x128xf32, #tpu.memory_space<vmem>>, vector<1x16xf32>,
        %swap3A_766 = vector.shape_cast %swap3A_765 : vector<1x16xf32> to vector<16xf32>
        %swap3A_767 = vector.shape_cast %mul3A_762 : vector<16xf32> to vector<1x16xf32>
        tpu.vector_store %arg7[%swap3A_763, %swap3A_764], %swap3A_767 {strides = array<i32>} : memref<128x128xf32, #tpu.memory_space<vmem>>, vector<1x16xf32>,
        %slice3A_768 = vector.extract_strided_slice %bitcast_convert_type3A {offsets = [8], sizes = [1], strides = [1]} : vector<16xf32> to vector<1xf32>
        %squeeze3A_769 = vector.extract %slice3A_768[0] : f32 from vector<1xf32>
        %broadcast_in_dim3A_770 = vector.broadcast %squeeze3A_769 : f32 to vector<16xf32>
        %mul3A_771 = arith.constant 16 : i32
        %mul3A_772 = arith.muli %scan3A_68, %mul3A_771 : i32
        %add3A_773 = arith.constant 8 : i32
        %add3A_774 = arith.addi %mul3A_772, %add3A_773 : i32
        %get3A_775 = arith.index_cast %add3A_774 : i32 to index
        %get3A_776 = arith.constant 0 : index
        %get3A_777 = tpu.vector_load %arg7[%get3A_775, %get3A_776] {strides = array<i32>} : memref<128x128xf32, #tpu.memory_space<vmem>>, vector<1x16xf32>,
        %get3A_778 = vector.shape_cast %get3A_777 : vector<1x16xf32> to vector<16xf32>
        %mul3A_779 = arith.mulf %get3A_778, %broadcast_in_dim3A_770 : vector<16xf32>
        %swap3A_780 = arith.index_cast %add3A_774 : i32 to index
        %swap3A_781 = arith.constant 0 : index
        %swap3A_782 = tpu.vector_load %arg7[%swap3A_780, %swap3A_781] {strides = array<i32>} : memref<128x128xf32, #tpu.memory_space<vmem>>, vector<1x16xf32>,
        %swap3A_783 = vector.shape_cast %swap3A_782 : vector<1x16xf32> to vector<16xf32>
        %swap3A_784 = vector.shape_cast %mul3A_779 : vector<16xf32> to vector<1x16xf32>
        tpu.vector_store %arg7[%swap3A_780, %swap3A_781], %swap3A_784 {strides = array<i32>} : memref<128x128xf32, #tpu.memory_space<vmem>>, vector<1x16xf32>,
        %get3A_785 = arith.index_cast %add3A_774 : i32 to index
        %get3A_786 = arith.constant 16 : index
        %get3A_787 = tpu.vector_load %arg7[%get3A_785, %get3A_786] {strides = array<i32>} : memref<128x128xf32, #tpu.memory_space<vmem>>, vector<1x16xf32>,
        %get3A_788 = vector.shape_cast %get3A_787 : vector<1x16xf32> to vector<16xf32>
        %mul3A_789 = arith.mulf %get3A_788, %broadcast_in_dim3A_770 : vector<16xf32>
        %swap3A_790 = arith.index_cast %add3A_774 : i32 to index
        %swap3A_791 = arith.constant 16 : index
        %swap3A_792 = tpu.vector_load %arg7[%swap3A_790, %swap3A_791] {strides = array<i32>} : memref<128x128xf32, #tpu.memory_space<vmem>>, vector<1x16xf32>,
        %swap3A_793 = vector.shape_cast %swap3A_792 : vector<1x16xf32> to vector<16xf32>
        %swap3A_794 = vector.shape_cast %mul3A_789 : vector<16xf32> to vector<1x16xf32>
        tpu.vector_store %arg7[%swap3A_790, %swap3A_791], %swap3A_794 {strides = array<i32>} : memref<128x128xf32, #tpu.memory_space<vmem>>, vector<1x16xf32>,
        %get3A_795 = arith.index_cast %add3A_774 : i32 to index
        %get3A_796 = arith.constant 32 : index
        %get3A_797 = tpu.vector_load %arg7[%get3A_795, %get3A_796] {strides = array<i32>} : memref<128x128xf32, #tpu.memory_space<vmem>>, vector<1x16xf32>,
        %get3A_798 = vector.shape_cast %get3A_797 : vector<1x16xf32> to vector<16xf32>
        %mul3A_799 = arith.mulf %get3A_798, %broadcast_in_dim3A_770 : vector<16xf32>
        %swap3A_800 = arith.index_cast %add3A_774 : i32 to index
        %swap3A_801 = arith.constant 32 : index
        %swap3A_802 = tpu.vector_load %arg7[%swap3A_800, %swap3A_801] {strides = array<i32>} : memref<128x128xf32, #tpu.memory_space<vmem>>, vector<1x16xf32>,
        %swap3A_803 = vector.shape_cast %swap3A_802 : vector<1x16xf32> to vector<16xf32>
        %swap3A_804 = vector.shape_cast %mul3A_799 : vector<16xf32> to vector<1x16xf32>
        tpu.vector_store %arg7[%swap3A_800, %swap3A_801], %swap3A_804 {strides = array<i32>} : memref<128x128xf32, #tpu.memory_space<vmem>>, vector<1x16xf32>,
        %get3A_805 = arith.index_cast %add3A_774 : i32 to index
        %get3A_806 = arith.constant 48 : index
        %get3A_807 = tpu.vector_load %arg7[%get3A_805, %get3A_806] {strides = array<i32>} : memref<128x128xf32, #tpu.memory_space<vmem>>, vector<1x16xf32>,
        %get3A_808 = vector.shape_cast %get3A_807 : vector<1x16xf32> to vector<16xf32>
        %mul3A_809 = arith.mulf %get3A_808, %broadcast_in_dim3A_770 : vector<16xf32>
        %swap3A_810 = arith.index_cast %add3A_774 : i32 to index
        %swap3A_811 = arith.constant 48 : index
        %swap3A_812 = tpu.vector_load %arg7[%swap3A_810, %swap3A_811] {strides = array<i32>} : memref<128x128xf32, #tpu.memory_space<vmem>>, vector<1x16xf32>,
        %swap3A_813 = vector.shape_cast %swap3A_812 : vector<1x16xf32> to vector<16xf32>
        %swap3A_814 = vector.shape_cast %mul3A_809 : vector<16xf32> to vector<1x16xf32>
        tpu.vector_store %arg7[%swap3A_810, %swap3A_811], %swap3A_814 {strides = array<i32>} : memref<128x128xf32, #tpu.memory_space<vmem>>, vector<1x16xf32>,
        %get3A_815 = arith.index_cast %add3A_774 : i32 to index
        %get3A_816 = arith.constant 64 : index
        %get3A_817 = tpu.vector_load %arg7[%get3A_815, %get3A_816] {strides = array<i32>} : memref<128x128xf32, #tpu.memory_space<vmem>>, vector<1x16xf32>,
        %get3A_818 = vector.shape_cast %get3A_817 : vector<1x16xf32> to vector<16xf32>
        %mul3A_819 = arith.mulf %get3A_818, %broadcast_in_dim3A_770 : vector<16xf32>
        %swap3A_820 = arith.index_cast %add3A_774 : i32 to index
        %swap3A_821 = arith.constant 64 : index
        %swap3A_822 = tpu.vector_load %arg7[%swap3A_820, %swap3A_821] {strides = array<i32>} : memref<128x128xf32, #tpu.memory_space<vmem>>, vector<1x16xf32>,
        %swap3A_823 = vector.shape_cast %swap3A_822 : vector<1x16xf32> to vector<16xf32>
        %swap3A_824 = vector.shape_cast %mul3A_819 : vector<16xf32> to vector<1x16xf32>
        tpu.vector_store %arg7[%swap3A_820, %swap3A_821], %swap3A_824 {strides = array<i32>} : memref<128x128xf32, #tpu.memory_space<vmem>>, vector<1x16xf32>,
        %get3A_825 = arith.index_cast %add3A_774 : i32 to index
        %get3A_826 = arith.constant 80 : index
        %get3A_827 = tpu.vector_load %arg7[%get3A_825, %get3A_826] {strides = array<i32>} : memref<128x128xf32, #tpu.memory_space<vmem>>, vector<1x16xf32>,
        %get3A_828 = vector.shape_cast %get3A_827 : vector<1x16xf32> to vector<16xf32>
        %mul3A_829 = arith.mulf %get3A_828, %broadcast_in_dim3A_770 : vector<16xf32>
        %swap3A_830 = arith.index_cast %add3A_774 : i32 to index
        %swap3A_831 = arith.constant 80 : index
        %swap3A_832 = tpu.vector_load %arg7[%swap3A_830, %swap3A_831] {strides = array<i32>} : memref<128x128xf32, #tpu.memory_space<vmem>>, vector<1x16xf32>,
        %swap3A_833 = vector.shape_cast %swap3A_832 : vector<1x16xf32> to vector<16xf32>
        %swap3A_834 = vector.shape_cast %mul3A_829 : vector<16xf32> to vector<1x16xf32>
        tpu.vector_store %arg7[%swap3A_830, %swap3A_831], %swap3A_834 {strides = array<i32>} : memref<128x128xf32, #tpu.memory_space<vmem>>, vector<1x16xf32>,
        %get3A_835 = arith.index_cast %add3A_774 : i32 to index
        %get3A_836 = arith.constant 96 : index
        %get3A_837 = tpu.vector_load %arg7[%get3A_835, %get3A_836] {strides = array<i32>} : memref<128x128xf32, #tpu.memory_space<vmem>>, vector<1x16xf32>,
        %get3A_838 = vector.shape_cast %get3A_837 : vector<1x16xf32> to vector<16xf32>
        %mul3A_839 = arith.mulf %get3A_838, %broadcast_in_dim3A_770 : vector<16xf32>
        %swap3A_840 = arith.index_cast %add3A_774 : i32 to index
        %swap3A_841 = arith.constant 96 : index
        %swap3A_842 = tpu.vector_load %arg7[%swap3A_840, %swap3A_841] {strides = array<i32>} : memref<128x128xf32, #tpu.memory_space<vmem>>, vector<1x16xf32>,
        %swap3A_843 = vector.shape_cast %swap3A_842 : vector<1x16xf32> to vector<16xf32>
        %swap3A_844 = vector.shape_cast %mul3A_839 : vector<16xf32> to vector<1x16xf32>
        tpu.vector_store %arg7[%swap3A_840, %swap3A_841], %swap3A_844 {strides = array<i32>} : memref<128x128xf32, #tpu.memory_space<vmem>>, vector<1x16xf32>,
        %get3A_845 = arith.index_cast %add3A_774 : i32 to index
        %get3A_846 = arith.constant 112 : index
        %get3A_847 = tpu.vector_load %arg7[%get3A_845, %get3A_846] {strides = array<i32>} : memref<128x128xf32, #tpu.memory_space<vmem>>, vector<1x16xf32>,
        %get3A_848 = vector.shape_cast %get3A_847 : vector<1x16xf32> to vector<16xf32>
        %mul3A_849 = arith.mulf %get3A_848, %broadcast_in_dim3A_770 : vector<16xf32>
        %swap3A_850 = arith.index_cast %add3A_774 : i32 to index
        %swap3A_851 = arith.constant 112 : index
        %swap3A_852 = tpu.vector_load %arg7[%swap3A_850, %swap3A_851] {strides = array<i32>} : memref<128x128xf32, #tpu.memory_space<vmem>>, vector<1x16xf32>,
        %swap3A_853 = vector.shape_cast %swap3A_852 : vector<1x16xf32> to vector<16xf32>
        %swap3A_854 = vector.shape_cast %mul3A_849 : vector<16xf32> to vector<1x16xf32>
        tpu.vector_store %arg7[%swap3A_850, %swap3A_851], %swap3A_854 {strides = array<i32>} : memref<128x128xf32, #tpu.memory_space<vmem>>, vector<1x16xf32>,
        %slice3A_855 = vector.extract_strided_slice %bitcast_convert_type3A {offsets = [9], sizes = [1], strides = [1]} : vector<16xf32> to vector<1xf32>
        %squeeze3A_856 = vector.extract %slice3A_855[0] : f32 from vector<1xf32>
        %broadcast_in_dim3A_857 = vector.broadcast %squeeze3A_856 : f32 to vector<16xf32>
        %mul3A_858 = arith.constant 16 : i32
        %mul3A_859 = arith.muli %scan3A_68, %mul3A_858 : i32
        %add3A_860 = arith.constant 9 : i32
        %add3A_861 = arith.addi %mul3A_859, %add3A_860 : i32
        %get3A_862 = arith.index_cast %add3A_861 : i32 to index
        %get3A_863 = arith.constant 0 : index
        %get3A_864 = tpu.vector_load %arg7[%get3A_862, %get3A_863] {strides = array<i32>} : memref<128x128xf32, #tpu.memory_space<vmem>>, vector<1x16xf32>,
        %get3A_865 = vector.shape_cast %get3A_864 : vector<1x16xf32> to vector<16xf32>
        %mul3A_866 = arith.mulf %get3A_865, %broadcast_in_dim3A_857 : vector<16xf32>
        %swap3A_867 = arith.index_cast %add3A_861 : i32 to index
        %swap3A_868 = arith.constant 0 : index
        %swap3A_869 = tpu.vector_load %arg7[%swap3A_867, %swap3A_868] {strides = array<i32>} : memref<128x128xf32, #tpu.memory_space<vmem>>, vector<1x16xf32>,
        %swap3A_870 = vector.shape_cast %swap3A_869 : vector<1x16xf32> to vector<16xf32>
        %swap3A_871 = vector.shape_cast %mul3A_866 : vector<16xf32> to vector<1x16xf32>
        tpu.vector_store %arg7[%swap3A_867, %swap3A_868], %swap3A_871 {strides = array<i32>} : memref<128x128xf32, #tpu.memory_space<vmem>>, vector<1x16xf32>,
        %get3A_872 = arith.index_cast %add3A_861 : i32 to index
        %get3A_873 = arith.constant 16 : index
        %get3A_874 = tpu.vector_load %arg7[%get3A_872, %get3A_873] {strides = array<i32>} : memref<128x128xf32, #tpu.memory_space<vmem>>, vector<1x16xf32>,
        %get3A_875 = vector.shape_cast %get3A_874 : vector<1x16xf32> to vector<16xf32>
        %mul3A_876 = arith.mulf %get3A_875, %broadcast_in_dim3A_857 : vector<16xf32>
        %swap3A_877 = arith.index_cast %add3A_861 : i32 to index
        %swap3A_878 = arith.constant 16 : index
        %swap3A_879 = tpu.vector_load %arg7[%swap3A_877, %swap3A_878] {strides = array<i32>} : memref<128x128xf32, #tpu.memory_space<vmem>>, vector<1x16xf32>,
        %swap3A_880 = vector.shape_cast %swap3A_879 : vector<1x16xf32> to vector<16xf32>
        %swap3A_881 = vector.shape_cast %mul3A_876 : vector<16xf32> to vector<1x16xf32>
        tpu.vector_store %arg7[%swap3A_877, %swap3A_878], %swap3A_881 {strides = array<i32>} : memref<128x128xf32, #tpu.memory_space<vmem>>, vector<1x16xf32>,
        %get3A_882 = arith.index_cast %add3A_861 : i32 to index
        %get3A_883 = arith.constant 32 : index
        %get3A_884 = tpu.vector_load %arg7[%get3A_882, %get3A_883] {strides = array<i32>} : memref<128x128xf32, #tpu.memory_space<vmem>>, vector<1x16xf32>,
        %get3A_885 = vector.shape_cast %get3A_884 : vector<1x16xf32> to vector<16xf32>
        %mul3A_886 = arith.mulf %get3A_885, %broadcast_in_dim3A_857 : vector<16xf32>
        %swap3A_887 = arith.index_cast %add3A_861 : i32 to index
        %swap3A_888 = arith.constant 32 : index
        %swap3A_889 = tpu.vector_load %arg7[%swap3A_887, %swap3A_888] {strides = array<i32>} : memref<128x128xf32, #tpu.memory_space<vmem>>, vector<1x16xf32>,
        %swap3A_890 = vector.shape_cast %swap3A_889 : vector<1x16xf32> to vector<16xf32>
        %swap3A_891 = vector.shape_cast %mul3A_886 : vector<16xf32> to vector<1x16xf32>
        tpu.vector_store %arg7[%swap3A_887, %swap3A_888], %swap3A_891 {strides = array<i32>} : memref<128x128xf32, #tpu.memory_space<vmem>>, vector<1x16xf32>,
        %get3A_892 = arith.index_cast %add3A_861 : i32 to index
        %get3A_893 = arith.constant 48 : index
        %get3A_894 = tpu.vector_load %arg7[%get3A_892, %get3A_893] {strides = array<i32>} : memref<128x128xf32, #tpu.memory_space<vmem>>, vector<1x16xf32>,
        %get3A_895 = vector.shape_cast %get3A_894 : vector<1x16xf32> to vector<16xf32>
        %mul3A_896 = arith.mulf %get3A_895, %broadcast_in_dim3A_857 : vector<16xf32>
        %swap3A_897 = arith.index_cast %add3A_861 : i32 to index
        %swap3A_898 = arith.constant 48 : index
        %swap3A_899 = tpu.vector_load %arg7[%swap3A_897, %swap3A_898] {strides = array<i32>} : memref<128x128xf32, #tpu.memory_space<vmem>>, vector<1x16xf32>,
        %swap3A_900 = vector.shape_cast %swap3A_899 : vector<1x16xf32> to vector<16xf32>
        %swap3A_901 = vector.shape_cast %mul3A_896 : vector<16xf32> to vector<1x16xf32>
        tpu.vector_store %arg7[%swap3A_897, %swap3A_898], %swap3A_901 {strides = array<i32>} : memref<128x128xf32, #tpu.memory_space<vmem>>, vector<1x16xf32>,
        %get3A_902 = arith.index_cast %add3A_861 : i32 to index
        %get3A_903 = arith.constant 64 : index
        %get3A_904 = tpu.vector_load %arg7[%get3A_902, %get3A_903] {strides = array<i32>} : memref<128x128xf32, #tpu.memory_space<vmem>>, vector<1x16xf32>,
        %get3A_905 = vector.shape_cast %get3A_904 : vector<1x16xf32> to vector<16xf32>
        %mul3A_906 = arith.mulf %get3A_905, %broadcast_in_dim3A_857 : vector<16xf32>
        %swap3A_907 = arith.index_cast %add3A_861 : i32 to index
        %swap3A_908 = arith.constant 64 : index
        %swap3A_909 = tpu.vector_load %arg7[%swap3A_907, %swap3A_908] {strides = array<i32>} : memref<128x128xf32, #tpu.memory_space<vmem>>, vector<1x16xf32>,
        %swap3A_910 = vector.shape_cast %swap3A_909 : vector<1x16xf32> to vector<16xf32>
        %swap3A_911 = vector.shape_cast %mul3A_906 : vector<16xf32> to vector<1x16xf32>
        tpu.vector_store %arg7[%swap3A_907, %swap3A_908], %swap3A_911 {strides = array<i32>} : memref<128x128xf32, #tpu.memory_space<vmem>>, vector<1x16xf32>,
        %get3A_912 = arith.index_cast %add3A_861 : i32 to index
        %get3A_913 = arith.constant 80 : index
        %get3A_914 = tpu.vector_load %arg7[%get3A_912, %get3A_913] {strides = array<i32>} : memref<128x128xf32, #tpu.memory_space<vmem>>, vector<1x16xf32>,
        %get3A_915 = vector.shape_cast %get3A_914 : vector<1x16xf32> to vector<16xf32>
        %mul3A_916 = arith.mulf %get3A_915, %broadcast_in_dim3A_857 : vector<16xf32>
        %swap3A_917 = arith.index_cast %add3A_861 : i32 to index
        %swap3A_918 = arith.constant 80 : index
        %swap3A_919 = tpu.vector_load %arg7[%swap3A_917, %swap3A_918] {strides = array<i32>} : memref<128x128xf32, #tpu.memory_space<vmem>>, vector<1x16xf32>,
        %swap3A_920 = vector.shape_cast %swap3A_919 : vector<1x16xf32> to vector<16xf32>
        %swap3A_921 = vector.shape_cast %mul3A_916 : vector<16xf32> to vector<1x16xf32>
        tpu.vector_store %arg7[%swap3A_917, %swap3A_918], %swap3A_921 {strides = array<i32>} : memref<128x128xf32, #tpu.memory_space<vmem>>, vector<1x16xf32>,
        %get3A_922 = arith.index_cast %add3A_861 : i32 to index
        %get3A_923 = arith.constant 96 : index
        %get3A_924 = tpu.vector_load %arg7[%get3A_922, %get3A_923] {strides = array<i32>} : memref<128x128xf32, #tpu.memory_space<vmem>>, vector<1x16xf32>,
        %get3A_925 = vector.shape_cast %get3A_924 : vector<1x16xf32> to vector<16xf32>
        %mul3A_926 = arith.mulf %get3A_925, %broadcast_in_dim3A_857 : vector<16xf32>
        %swap3A_927 = arith.index_cast %add3A_861 : i32 to index
        %swap3A_928 = arith.constant 96 : index
        %swap3A_929 = tpu.vector_load %arg7[%swap3A_927, %swap3A_928] {strides = array<i32>} : memref<128x128xf32, #tpu.memory_space<vmem>>, vector<1x16xf32>,
        %swap3A_930 = vector.shape_cast %swap3A_929 : vector<1x16xf32> to vector<16xf32>
        %swap3A_931 = vector.shape_cast %mul3A_926 : vector<16xf32> to vector<1x16xf32>
        tpu.vector_store %arg7[%swap3A_927, %swap3A_928], %swap3A_931 {strides = array<i32>} : memref<128x128xf32, #tpu.memory_space<vmem>>, vector<1x16xf32>,
        %get3A_932 = arith.index_cast %add3A_861 : i32 to index
        %get3A_933 = arith.constant 112 : index
        %get3A_934 = tpu.vector_load %arg7[%get3A_932, %get3A_933] {strides = array<i32>} : memref<128x128xf32, #tpu.memory_space<vmem>>, vector<1x16xf32>,
        %get3A_935 = vector.shape_cast %get3A_934 : vector<1x16xf32> to vector<16xf32>
        %mul3A_936 = arith.mulf %get3A_935, %broadcast_in_dim3A_857 : vector<16xf32>
        %swap3A_937 = arith.index_cast %add3A_861 : i32 to index
        %swap3A_938 = arith.constant 112 : index
        %swap3A_939 = tpu.vector_load %arg7[%swap3A_937, %swap3A_938] {strides = array<i32>} : memref<128x128xf32, #tpu.memory_space<vmem>>, vector<1x16xf32>,
        %swap3A_940 = vector.shape_cast %swap3A_939 : vector<1x16xf32> to vector<16xf32>
        %swap3A_941 = vector.shape_cast %mul3A_936 : vector<16xf32> to vector<1x16xf32>
        tpu.vector_store %arg7[%swap3A_937, %swap3A_938], %swap3A_941 {strides = array<i32>} : memref<128x128xf32, #tpu.memory_space<vmem>>, vector<1x16xf32>,
        %slice3A_942 = vector.extract_strided_slice %bitcast_convert_type3A {offsets = [10], sizes = [1], strides = [1]} : vector<16xf32> to vector<1xf32>
        %squeeze3A_943 = vector.extract %slice3A_942[0] : f32 from vector<1xf32>
        %broadcast_in_dim3A_944 = vector.broadcast %squeeze3A_943 : f32 to vector<16xf32>
        %mul3A_945 = arith.constant 16 : i32
        %mul3A_946 = arith.muli %scan3A_68, %mul3A_945 : i32
        %add3A_947 = arith.constant 10 : i32
        %add3A_948 = arith.addi %mul3A_946, %add3A_947 : i32
        %get3A_949 = arith.index_cast %add3A_948 : i32 to index
        %get3A_950 = arith.constant 0 : index
        %get3A_951 = tpu.vector_load %arg7[%get3A_949, %get3A_950] {strides = array<i32>} : memref<128x128xf32, #tpu.memory_space<vmem>>, vector<1x16xf32>,
        %get3A_952 = vector.shape_cast %get3A_951 : vector<1x16xf32> to vector<16xf32>
        %mul3A_953 = arith.mulf %get3A_952, %broadcast_in_dim3A_944 : vector<16xf32>
        %swap3A_954 = arith.index_cast %add3A_948 : i32 to index
        %swap3A_955 = arith.constant 0 : index
        %swap3A_956 = tpu.vector_load %arg7[%swap3A_954, %swap3A_955] {strides = array<i32>} : memref<128x128xf32, #tpu.memory_space<vmem>>, vector<1x16xf32>,
        %swap3A_957 = vector.shape_cast %swap3A_956 : vector<1x16xf32> to vector<16xf32>
        %swap3A_958 = vector.shape_cast %mul3A_953 : vector<16xf32> to vector<1x16xf32>
        tpu.vector_store %arg7[%swap3A_954, %swap3A_955], %swap3A_958 {strides = array<i32>} : memref<128x128xf32, #tpu.memory_space<vmem>>, vector<1x16xf32>,
        %get3A_959 = arith.index_cast %add3A_948 : i32 to index
        %get3A_960 = arith.constant 16 : index
        %get3A_961 = tpu.vector_load %arg7[%get3A_959, %get3A_960] {strides = array<i32>} : memref<128x128xf32, #tpu.memory_space<vmem>>, vector<1x16xf32>,
        %get3A_962 = vector.shape_cast %get3A_961 : vector<1x16xf32> to vector<16xf32>
        %mul3A_963 = arith.mulf %get3A_962, %broadcast_in_dim3A_944 : vector<16xf32>
        %swap3A_964 = arith.index_cast %add3A_948 : i32 to index
        %swap3A_965 = arith.constant 16 : index
        %swap3A_966 = tpu.vector_load %arg7[%swap3A_964, %swap3A_965] {strides = array<i32>} : memref<128x128xf32, #tpu.memory_space<vmem>>, vector<1x16xf32>,
        %swap3A_967 = vector.shape_cast %swap3A_966 : vector<1x16xf32> to vector<16xf32>
        %swap3A_968 = vector.shape_cast %mul3A_963 : vector<16xf32> to vector<1x16xf32>
        tpu.vector_store %arg7[%swap3A_964, %swap3A_965], %swap3A_968 {strides = array<i32>} : memref<128x128xf32, #tpu.memory_space<vmem>>, vector<1x16xf32>,
        %get3A_969 = arith.index_cast %add3A_948 : i32 to index
        %get3A_970 = arith.constant 32 : index
        %get3A_971 = tpu.vector_load %arg7[%get3A_969, %get3A_970] {strides = array<i32>} : memref<128x128xf32, #tpu.memory_space<vmem>>, vector<1x16xf32>,
        %get3A_972 = vector.shape_cast %get3A_971 : vector<1x16xf32> to vector<16xf32>
        %mul3A_973 = arith.mulf %get3A_972, %broadcast_in_dim3A_944 : vector<16xf32>
        %swap3A_974 = arith.index_cast %add3A_948 : i32 to index
        %swap3A_975 = arith.constant 32 : index
        %swap3A_976 = tpu.vector_load %arg7[%swap3A_974, %swap3A_975] {strides = array<i32>} : memref<128x128xf32, #tpu.memory_space<vmem>>, vector<1x16xf32>,
        %swap3A_977 = vector.shape_cast %swap3A_976 : vector<1x16xf32> to vector<16xf32>
        %swap3A_978 = vector.shape_cast %mul3A_973 : vector<16xf32> to vector<1x16xf32>
        tpu.vector_store %arg7[%swap3A_974, %swap3A_975], %swap3A_978 {strides = array<i32>} : memref<128x128xf32, #tpu.memory_space<vmem>>, vector<1x16xf32>,
        %get3A_979 = arith.index_cast %add3A_948 : i32 to index
        %get3A_980 = arith.constant 48 : index
        %get3A_981 = tpu.vector_load %arg7[%get3A_979, %get3A_980] {strides = array<i32>} : memref<128x128xf32, #tpu.memory_space<vmem>>, vector<1x16xf32>,
        %get3A_982 = vector.shape_cast %get3A_981 : vector<1x16xf32> to vector<16xf32>
        %mul3A_983 = arith.mulf %get3A_982, %broadcast_in_dim3A_944 : vector<16xf32>
        %swap3A_984 = arith.index_cast %add3A_948 : i32 to index
        %swap3A_985 = arith.constant 48 : index
        %swap3A_986 = tpu.vector_load %arg7[%swap3A_984, %swap3A_985] {strides = array<i32>} : memref<128x128xf32, #tpu.memory_space<vmem>>, vector<1x16xf32>,
        %swap3A_987 = vector.shape_cast %swap3A_986 : vector<1x16xf32> to vector<16xf32>
        %swap3A_988 = vector.shape_cast %mul3A_983 : vector<16xf32> to vector<1x16xf32>
        tpu.vector_store %arg7[%swap3A_984, %swap3A_985], %swap3A_988 {strides = array<i32>} : memref<128x128xf32, #tpu.memory_space<vmem>>, vector<1x16xf32>,
        %get3A_989 = arith.index_cast %add3A_948 : i32 to index
        %get3A_990 = arith.constant 64 : index
        %get3A_991 = tpu.vector_load %arg7[%get3A_989, %get3A_990] {strides = array<i32>} : memref<128x128xf32, #tpu.memory_space<vmem>>, vector<1x16xf32>,
        %get3A_992 = vector.shape_cast %get3A_991 : vector<1x16xf32> to vector<16xf32>
        %mul3A_993 = arith.mulf %get3A_992, %broadcast_in_dim3A_944 : vector<16xf32>
        %swap3A_994 = arith.index_cast %add3A_948 : i32 to index
        %swap3A_995 = arith.constant 64 : index
        %swap3A_996 = tpu.vector_load %arg7[%swap3A_994, %swap3A_995] {strides = array<i32>} : memref<128x128xf32, #tpu.memory_space<vmem>>, vector<1x16xf32>,
        %swap3A_997 = vector.shape_cast %swap3A_996 : vector<1x16xf32> to vector<16xf32>
        %swap3A_998 = vector.shape_cast %mul3A_993 : vector<16xf32> to vector<1x16xf32>
        tpu.vector_store %arg7[%swap3A_994, %swap3A_995], %swap3A_998 {strides = array<i32>} : memref<128x128xf32, #tpu.memory_space<vmem>>, vector<1x16xf32>,
        %get3A_999 = arith.index_cast %add3A_948 : i32 to index
        %get3A_1000 = arith.constant 80 : index
        %get3A_1001 = tpu.vector_load %arg7[%get3A_999, %get3A_1000] {strides = array<i32>} : memref<128x128xf32, #tpu.memory_space<vmem>>, vector<1x16xf32>,
        %get3A_1002 = vector.shape_cast %get3A_1001 : vector<1x16xf32> to vector<16xf32>
        %mul3A_1003 = arith.mulf %get3A_1002, %broadcast_in_dim3A_944 : vector<16xf32>
        %swap3A_1004 = arith.index_cast %add3A_948 : i32 to index
        %swap3A_1005 = arith.constant 80 : index
        %swap3A_1006 = tpu.vector_load %arg7[%swap3A_1004, %swap3A_1005] {strides = array<i32>} : memref<128x128xf32, #tpu.memory_space<vmem>>, vector<1x16xf32>,
        %swap3A_1007 = vector.shape_cast %swap3A_1006 : vector<1x16xf32> to vector<16xf32>
        %swap3A_1008 = vector.shape_cast %mul3A_1003 : vector<16xf32> to vector<1x16xf32>
        tpu.vector_store %arg7[%swap3A_1004, %swap3A_1005], %swap3A_1008 {strides = array<i32>} : memref<128x128xf32, #tpu.memory_space<vmem>>, vector<1x16xf32>,
        %get3A_1009 = arith.index_cast %add3A_948 : i32 to index
        %get3A_1010 = arith.constant 96 : index
        %get3A_1011 = tpu.vector_load %arg7[%get3A_1009, %get3A_1010] {strides = array<i32>} : memref<128x128xf32, #tpu.memory_space<vmem>>, vector<1x16xf32>,
        %get3A_1012 = vector.shape_cast %get3A_1011 : vector<1x16xf32> to vector<16xf32>
        %mul3A_1013 = arith.mulf %get3A_1012, %broadcast_in_dim3A_944 : vector<16xf32>
        %swap3A_1014 = arith.index_cast %add3A_948 : i32 to index
        %swap3A_1015 = arith.constant 96 : index
        %swap3A_1016 = tpu.vector_load %arg7[%swap3A_1014, %swap3A_1015] {strides = array<i32>} : memref<128x128xf32, #tpu.memory_space<vmem>>, vector<1x16xf32>,
        %swap3A_1017 = vector.shape_cast %swap3A_1016 : vector<1x16xf32> to vector<16xf32>
        %swap3A_1018 = vector.shape_cast %mul3A_1013 : vector<16xf32> to vector<1x16xf32>
        tpu.vector_store %arg7[%swap3A_1014, %swap3A_1015], %swap3A_1018 {strides = array<i32>} : memref<128x128xf32, #tpu.memory_space<vmem>>, vector<1x16xf32>,
        %get3A_1019 = arith.index_cast %add3A_948 : i32 to index
        %get3A_1020 = arith.constant 112 : index
        %get3A_1021 = tpu.vector_load %arg7[%get3A_1019, %get3A_1020] {strides = array<i32>} : memref<128x128xf32, #tpu.memory_space<vmem>>, vector<1x16xf32>,
        %get3A_1022 = vector.shape_cast %get3A_1021 : vector<1x16xf32> to vector<16xf32>
        %mul3A_1023 = arith.mulf %get3A_1022, %broadcast_in_dim3A_944 : vector<16xf32>
        %swap3A_1024 = arith.index_cast %add3A_948 : i32 to index
        %swap3A_1025 = arith.constant 112 : index
        %swap3A_1026 = tpu.vector_load %arg7[%swap3A_1024, %swap3A_1025] {strides = array<i32>} : memref<128x128xf32, #tpu.memory_space<vmem>>, vector<1x16xf32>,
        %swap3A_1027 = vector.shape_cast %swap3A_1026 : vector<1x16xf32> to vector<16xf32>
        %swap3A_1028 = vector.shape_cast %mul3A_1023 : vector<16xf32> to vector<1x16xf32>
        tpu.vector_store %arg7[%swap3A_1024, %swap3A_1025], %swap3A_1028 {strides = array<i32>} : memref<128x128xf32, #tpu.memory_space<vmem>>, vector<1x16xf32>,
        %slice3A_1029 = vector.extract_strided_slice %bitcast_convert_type3A {offsets = [11], sizes = [1], strides = [1]} : vector<16xf32> to vector<1xf32>
        %squeeze3A_1030 = vector.extract %slice3A_1029[0] : f32 from vector<1xf32>
        %broadcast_in_dim3A_1031 = vector.broadcast %squeeze3A_1030 : f32 to vector<16xf32>
        %mul3A_1032 = arith.constant 16 : i32
        %mul3A_1033 = arith.muli %scan3A_68, %mul3A_1032 : i32
        %add3A_1034 = arith.constant 11 : i32
        %add3A_1035 = arith.addi %mul3A_1033, %add3A_1034 : i32
        %get3A_1036 = arith.index_cast %add3A_1035 : i32 to index
        %get3A_1037 = arith.constant 0 : index
        %get3A_1038 = tpu.vector_load %arg7[%get3A_1036, %get3A_1037] {strides = array<i32>} : memref<128x128xf32, #tpu.memory_space<vmem>>, vector<1x16xf32>,
        %get3A_1039 = vector.shape_cast %get3A_1038 : vector<1x16xf32> to vector<16xf32>
        %mul3A_1040 = arith.mulf %get3A_1039, %broadcast_in_dim3A_1031 : vector<16xf32>
        %swap3A_1041 = arith.index_cast %add3A_1035 : i32 to index
        %swap3A_1042 = arith.constant 0 : index
        %swap3A_1043 = tpu.vector_load %arg7[%swap3A_1041, %swap3A_1042] {strides = array<i32>} : memref<128x128xf32, #tpu.memory_space<vmem>>, vector<1x16xf32>,
        %swap3A_1044 = vector.shape_cast %swap3A_1043 : vector<1x16xf32> to vector<16xf32>
        %swap3A_1045 = vector.shape_cast %mul3A_1040 : vector<16xf32> to vector<1x16xf32>
        tpu.vector_store %arg7[%swap3A_1041, %swap3A_1042], %swap3A_1045 {strides = array<i32>} : memref<128x128xf32, #tpu.memory_space<vmem>>, vector<1x16xf32>,
        %get3A_1046 = arith.index_cast %add3A_1035 : i32 to index
        %get3A_1047 = arith.constant 16 : index
        %get3A_1048 = tpu.vector_load %arg7[%get3A_1046, %get3A_1047] {strides = array<i32>} : memref<128x128xf32, #tpu.memory_space<vmem>>, vector<1x16xf32>,
        %get3A_1049 = vector.shape_cast %get3A_1048 : vector<1x16xf32> to vector<16xf32>
        %mul3A_1050 = arith.mulf %get3A_1049, %broadcast_in_dim3A_1031 : vector<16xf32>
        %swap3A_1051 = arith.index_cast %add3A_1035 : i32 to index
        %swap3A_1052 = arith.constant 16 : index
        %swap3A_1053 = tpu.vector_load %arg7[%swap3A_1051, %swap3A_1052] {strides = array<i32>} : memref<128x128xf32, #tpu.memory_space<vmem>>, vector<1x16xf32>,
        %swap3A_1054 = vector.shape_cast %swap3A_1053 : vector<1x16xf32> to vector<16xf32>
        %swap3A_1055 = vector.shape_cast %mul3A_1050 : vector<16xf32> to vector<1x16xf32>
        tpu.vector_store %arg7[%swap3A_1051, %swap3A_1052], %swap3A_1055 {strides = array<i32>} : memref<128x128xf32, #tpu.memory_space<vmem>>, vector<1x16xf32>,
        %get3A_1056 = arith.index_cast %add3A_1035 : i32 to index
        %get3A_1057 = arith.constant 32 : index
        %get3A_1058 = tpu.vector_load %arg7[%get3A_1056, %get3A_1057] {strides = array<i32>} : memref<128x128xf32, #tpu.memory_space<vmem>>, vector<1x16xf32>,
        %get3A_1059 = vector.shape_cast %get3A_1058 : vector<1x16xf32> to vector<16xf32>
        %mul3A_1060 = arith.mulf %get3A_1059, %broadcast_in_dim3A_1031 : vector<16xf32>
        %swap3A_1061 = arith.index_cast %add3A_1035 : i32 to index
        %swap3A_1062 = arith.constant 32 : index
        %swap3A_1063 = tpu.vector_load %arg7[%swap3A_1061, %swap3A_1062] {strides = array<i32>} : memref<128x128xf32, #tpu.memory_space<vmem>>, vector<1x16xf32>,
        %swap3A_1064 = vector.shape_cast %swap3A_1063 : vector<1x16xf32> to vector<16xf32>
        %swap3A_1065 = vector.shape_cast %mul3A_1060 : vector<16xf32> to vector<1x16xf32>
        tpu.vector_store %arg7[%swap3A_1061, %swap3A_1062], %swap3A_1065 {strides = array<i32>} : memref<128x128xf32, #tpu.memory_space<vmem>>, vector<1x16xf32>,
        %get3A_1066 = arith.index_cast %add3A_1035 : i32 to index
        %get3A_1067 = arith.constant 48 : index
        %get3A_1068 = tpu.vector_load %arg7[%get3A_1066, %get3A_1067] {strides = array<i32>} : memref<128x128xf32, #tpu.memory_space<vmem>>, vector<1x16xf32>,
        %get3A_1069 = vector.shape_cast %get3A_1068 : vector<1x16xf32> to vector<16xf32>
        %mul3A_1070 = arith.mulf %get3A_1069, %broadcast_in_dim3A_1031 : vector<16xf32>
        %swap3A_1071 = arith.index_cast %add3A_1035 : i32 to index
        %swap3A_1072 = arith.constant 48 : index
        %swap3A_1073 = tpu.vector_load %arg7[%swap3A_1071, %swap3A_1072] {strides = array<i32>} : memref<128x128xf32, #tpu.memory_space<vmem>>, vector<1x16xf32>,
        %swap3A_1074 = vector.shape_cast %swap3A_1073 : vector<1x16xf32> to vector<16xf32>
        %swap3A_1075 = vector.shape_cast %mul3A_1070 : vector<16xf32> to vector<1x16xf32>
        tpu.vector_store %arg7[%swap3A_1071, %swap3A_1072], %swap3A_1075 {strides = array<i32>} : memref<128x128xf32, #tpu.memory_space<vmem>>, vector<1x16xf32>,
        %get3A_1076 = arith.index_cast %add3A_1035 : i32 to index
        %get3A_1077 = arith.constant 64 : index
        %get3A_1078 = tpu.vector_load %arg7[%get3A_1076, %get3A_1077] {strides = array<i32>} : memref<128x128xf32, #tpu.memory_space<vmem>>, vector<1x16xf32>,
        %get3A_1079 = vector.shape_cast %get3A_1078 : vector<1x16xf32> to vector<16xf32>
        %mul3A_1080 = arith.mulf %get3A_1079, %broadcast_in_dim3A_1031 : vector<16xf32>
        %swap3A_1081 = arith.index_cast %add3A_1035 : i32 to index
        %swap3A_1082 = arith.constant 64 : index
        %swap3A_1083 = tpu.vector_load %arg7[%swap3A_1081, %swap3A_1082] {strides = array<i32>} : memref<128x128xf32, #tpu.memory_space<vmem>>, vector<1x16xf32>,
        %swap3A_1084 = vector.shape_cast %swap3A_1083 : vector<1x16xf32> to vector<16xf32>
        %swap3A_1085 = vector.shape_cast %mul3A_1080 : vector<16xf32> to vector<1x16xf32>
        tpu.vector_store %arg7[%swap3A_1081, %swap3A_1082], %swap3A_1085 {strides = array<i32>} : memref<128x128xf32, #tpu.memory_space<vmem>>, vector<1x16xf32>,
        %get3A_1086 = arith.index_cast %add3A_1035 : i32 to index
        %get3A_1087 = arith.constant 80 : index
        %get3A_1088 = tpu.vector_load %arg7[%get3A_1086, %get3A_1087] {strides = array<i32>} : memref<128x128xf32, #tpu.memory_space<vmem>>, vector<1x16xf32>,
        %get3A_1089 = vector.shape_cast %get3A_1088 : vector<1x16xf32> to vector<16xf32>
        %mul3A_1090 = arith.mulf %get3A_1089, %broadcast_in_dim3A_1031 : vector<16xf32>
        %swap3A_1091 = arith.index_cast %add3A_1035 : i32 to index
        %swap3A_1092 = arith.constant 80 : index
        %swap3A_1093 = tpu.vector_load %arg7[%swap3A_1091, %swap3A_1092] {strides = array<i32>} : memref<128x128xf32, #tpu.memory_space<vmem>>, vector<1x16xf32>,
        %swap3A_1094 = vector.shape_cast %swap3A_1093 : vector<1x16xf32> to vector<16xf32>
        %swap3A_1095 = vector.shape_cast %mul3A_1090 : vector<16xf32> to vector<1x16xf32>
        tpu.vector_store %arg7[%swap3A_1091, %swap3A_1092], %swap3A_1095 {strides = array<i32>} : memref<128x128xf32, #tpu.memory_space<vmem>>, vector<1x16xf32>,
        %get3A_1096 = arith.index_cast %add3A_1035 : i32 to index
        %get3A_1097 = arith.constant 96 : index
        %get3A_1098 = tpu.vector_load %arg7[%get3A_1096, %get3A_1097] {strides = array<i32>} : memref<128x128xf32, #tpu.memory_space<vmem>>, vector<1x16xf32>,
        %get3A_1099 = vector.shape_cast %get3A_1098 : vector<1x16xf32> to vector<16xf32>
        %mul3A_1100 = arith.mulf %get3A_1099, %broadcast_in_dim3A_1031 : vector<16xf32>
        %swap3A_1101 = arith.index_cast %add3A_1035 : i32 to index
        %swap3A_1102 = arith.constant 96 : index
        %swap3A_1103 = tpu.vector_load %arg7[%swap3A_1101, %swap3A_1102] {strides = array<i32>} : memref<128x128xf32, #tpu.memory_space<vmem>>, vector<1x16xf32>,
        %swap3A_1104 = vector.shape_cast %swap3A_1103 : vector<1x16xf32> to vector<16xf32>
        %swap3A_1105 = vector.shape_cast %mul3A_1100 : vector<16xf32> to vector<1x16xf32>
        tpu.vector_store %arg7[%swap3A_1101, %swap3A_1102], %swap3A_1105 {strides = array<i32>} : memref<128x128xf32, #tpu.memory_space<vmem>>, vector<1x16xf32>,
        %get3A_1106 = arith.index_cast %add3A_1035 : i32 to index
        %get3A_1107 = arith.constant 112 : index
        %get3A_1108 = tpu.vector_load %arg7[%get3A_1106, %get3A_1107] {strides = array<i32>} : memref<128x128xf32, #tpu.memory_space<vmem>>, vector<1x16xf32>,
        %get3A_1109 = vector.shape_cast %get3A_1108 : vector<1x16xf32> to vector<16xf32>
        %mul3A_1110 = arith.mulf %get3A_1109, %broadcast_in_dim3A_1031 : vector<16xf32>
        %swap3A_1111 = arith.index_cast %add3A_1035 : i32 to index
        %swap3A_1112 = arith.constant 112 : index
        %swap3A_1113 = tpu.vector_load %arg7[%swap3A_1111, %swap3A_1112] {strides = array<i32>} : memref<128x128xf32, #tpu.memory_space<vmem>>, vector<1x16xf32>,
        %swap3A_1114 = vector.shape_cast %swap3A_1113 : vector<1x16xf32> to vector<16xf32>
        %swap3A_1115 = vector.shape_cast %mul3A_1110 : vector<16xf32> to vector<1x16xf32>
        tpu.vector_store %arg7[%swap3A_1111, %swap3A_1112], %swap3A_1115 {strides = array<i32>} : memref<128x128xf32, #tpu.memory_space<vmem>>, vector<1x16xf32>,
        %slice3A_1116 = vector.extract_strided_slice %bitcast_convert_type3A {offsets = [12], sizes = [1], strides = [1]} : vector<16xf32> to vector<1xf32>
        %squeeze3A_1117 = vector.extract %slice3A_1116[0] : f32 from vector<1xf32>
        %broadcast_in_dim3A_1118 = vector.broadcast %squeeze3A_1117 : f32 to vector<16xf32>
        %mul3A_1119 = arith.constant 16 : i32
        %mul3A_1120 = arith.muli %scan3A_68, %mul3A_1119 : i32
        %add3A_1121 = arith.constant 12 : i32
        %add3A_1122 = arith.addi %mul3A_1120, %add3A_1121 : i32
        %get3A_1123 = arith.index_cast %add3A_1122 : i32 to index
        %get3A_1124 = arith.constant 0 : index
        %get3A_1125 = tpu.vector_load %arg7[%get3A_1123, %get3A_1124] {strides = array<i32>} : memref<128x128xf32, #tpu.memory_space<vmem>>, vector<1x16xf32>,
        %get3A_1126 = vector.shape_cast %get3A_1125 : vector<1x16xf32> to vector<16xf32>
        %mul3A_1127 = arith.mulf %get3A_1126, %broadcast_in_dim3A_1118 : vector<16xf32>
        %swap3A_1128 = arith.index_cast %add3A_1122 : i32 to index
        %swap3A_1129 = arith.constant 0 : index
        %swap3A_1130 = tpu.vector_load %arg7[%swap3A_1128, %swap3A_1129] {strides = array<i32>} : memref<128x128xf32, #tpu.memory_space<vmem>>, vector<1x16xf32>,
        %swap3A_1131 = vector.shape_cast %swap3A_1130 : vector<1x16xf32> to vector<16xf32>
        %swap3A_1132 = vector.shape_cast %mul3A_1127 : vector<16xf32> to vector<1x16xf32>
        tpu.vector_store %arg7[%swap3A_1128, %swap3A_1129], %swap3A_1132 {strides = array<i32>} : memref<128x128xf32, #tpu.memory_space<vmem>>, vector<1x16xf32>,
        %get3A_1133 = arith.index_cast %add3A_1122 : i32 to index
        %get3A_1134 = arith.constant 16 : index
        %get3A_1135 = tpu.vector_load %arg7[%get3A_1133, %get3A_1134] {strides = array<i32>} : memref<128x128xf32, #tpu.memory_space<vmem>>, vector<1x16xf32>,
        %get3A_1136 = vector.shape_cast %get3A_1135 : vector<1x16xf32> to vector<16xf32>
        %mul3A_1137 = arith.mulf %get3A_1136, %broadcast_in_dim3A_1118 : vector<16xf32>
        %swap3A_1138 = arith.index_cast %add3A_1122 : i32 to index
        %swap3A_1139 = arith.constant 16 : index
        %swap3A_1140 = tpu.vector_load %arg7[%swap3A_1138, %swap3A_1139] {strides = array<i32>} : memref<128x128xf32, #tpu.memory_space<vmem>>, vector<1x16xf32>,
        %swap3A_1141 = vector.shape_cast %swap3A_1140 : vector<1x16xf32> to vector<16xf32>
        %swap3A_1142 = vector.shape_cast %mul3A_1137 : vector<16xf32> to vector<1x16xf32>
        tpu.vector_store %arg7[%swap3A_1138, %swap3A_1139], %swap3A_1142 {strides = array<i32>} : memref<128x128xf32, #tpu.memory_space<vmem>>, vector<1x16xf32>,
        %get3A_1143 = arith.index_cast %add3A_1122 : i32 to index
        %get3A_1144 = arith.constant 32 : index
        %get3A_1145 = tpu.vector_load %arg7[%get3A_1143, %get3A_1144] {strides = array<i32>} : memref<128x128xf32, #tpu.memory_space<vmem>>, vector<1x16xf32>,
        %get3A_1146 = vector.shape_cast %get3A_1145 : vector<1x16xf32> to vector<16xf32>
        %mul3A_1147 = arith.mulf %get3A_1146, %broadcast_in_dim3A_1118 : vector<16xf32>
        %swap3A_1148 = arith.index_cast %add3A_1122 : i32 to index
        %swap3A_1149 = arith.constant 32 : index
        %swap3A_1150 = tpu.vector_load %arg7[%swap3A_1148, %swap3A_1149] {strides = array<i32>} : memref<128x128xf32, #tpu.memory_space<vmem>>, vector<1x16xf32>,
        %swap3A_1151 = vector.shape_cast %swap3A_1150 : vector<1x16xf32> to vector<16xf32>
        %swap3A_1152 = vector.shape_cast %mul3A_1147 : vector<16xf32> to vector<1x16xf32>
        tpu.vector_store %arg7[%swap3A_1148, %swap3A_1149], %swap3A_1152 {strides = array<i32>} : memref<128x128xf32, #tpu.memory_space<vmem>>, vector<1x16xf32>,
        %get3A_1153 = arith.index_cast %add3A_1122 : i32 to index
        %get3A_1154 = arith.constant 48 : index
        %get3A_1155 = tpu.vector_load %arg7[%get3A_1153, %get3A_1154] {strides = array<i32>} : memref<128x128xf32, #tpu.memory_space<vmem>>, vector<1x16xf32>,
        %get3A_1156 = vector.shape_cast %get3A_1155 : vector<1x16xf32> to vector<16xf32>
        %mul3A_1157 = arith.mulf %get3A_1156, %broadcast_in_dim3A_1118 : vector<16xf32>
        %swap3A_1158 = arith.index_cast %add3A_1122 : i32 to index
        %swap3A_1159 = arith.constant 48 : index
        %swap3A_1160 = tpu.vector_load %arg7[%swap3A_1158, %swap3A_1159] {strides = array<i32>} : memref<128x128xf32, #tpu.memory_space<vmem>>, vector<1x16xf32>,
        %swap3A_1161 = vector.shape_cast %swap3A_1160 : vector<1x16xf32> to vector<16xf32>
        %swap3A_1162 = vector.shape_cast %mul3A_1157 : vector<16xf32> to vector<1x16xf32>
        tpu.vector_store %arg7[%swap3A_1158, %swap3A_1159], %swap3A_1162 {strides = array<i32>} : memref<128x128xf32, #tpu.memory_space<vmem>>, vector<1x16xf32>,
        %get3A_1163 = arith.index_cast %add3A_1122 : i32 to index
        %get3A_1164 = arith.constant 64 : index
        %get3A_1165 = tpu.vector_load %arg7[%get3A_1163, %get3A_1164] {strides = array<i32>} : memref<128x128xf32, #tpu.memory_space<vmem>>, vector<1x16xf32>,
        %get3A_1166 = vector.shape_cast %get3A_1165 : vector<1x16xf32> to vector<16xf32>
        %mul3A_1167 = arith.mulf %get3A_1166, %broadcast_in_dim3A_1118 : vector<16xf32>
        %swap3A_1168 = arith.index_cast %add3A_1122 : i32 to index
        %swap3A_1169 = arith.constant 64 : index
        %swap3A_1170 = tpu.vector_load %arg7[%swap3A_1168, %swap3A_1169] {strides = array<i32>} : memref<128x128xf32, #tpu.memory_space<vmem>>, vector<1x16xf32>,
        %swap3A_1171 = vector.shape_cast %swap3A_1170 : vector<1x16xf32> to vector<16xf32>
        %swap3A_1172 = vector.shape_cast %mul3A_1167 : vector<16xf32> to vector<1x16xf32>
        tpu.vector_store %arg7[%swap3A_1168, %swap3A_1169], %swap3A_1172 {strides = array<i32>} : memref<128x128xf32, #tpu.memory_space<vmem>>, vector<1x16xf32>,
        %get3A_1173 = arith.index_cast %add3A_1122 : i32 to index
        %get3A_1174 = arith.constant 80 : index
        %get3A_1175 = tpu.vector_load %arg7[%get3A_1173, %get3A_1174] {strides = array<i32>} : memref<128x128xf32, #tpu.memory_space<vmem>>, vector<1x16xf32>,
        %get3A_1176 = vector.shape_cast %get3A_1175 : vector<1x16xf32> to vector<16xf32>
        %mul3A_1177 = arith.mulf %get3A_1176, %broadcast_in_dim3A_1118 : vector<16xf32>
        %swap3A_1178 = arith.index_cast %add3A_1122 : i32 to index
        %swap3A_1179 = arith.constant 80 : index
        %swap3A_1180 = tpu.vector_load %arg7[%swap3A_1178, %swap3A_1179] {strides = array<i32>} : memref<128x128xf32, #tpu.memory_space<vmem>>, vector<1x16xf32>,
        %swap3A_1181 = vector.shape_cast %swap3A_1180 : vector<1x16xf32> to vector<16xf32>
        %swap3A_1182 = vector.shape_cast %mul3A_1177 : vector<16xf32> to vector<1x16xf32>
        tpu.vector_store %arg7[%swap3A_1178, %swap3A_1179], %swap3A_1182 {strides = array<i32>} : memref<128x128xf32, #tpu.memory_space<vmem>>, vector<1x16xf32>,
        %get3A_1183 = arith.index_cast %add3A_1122 : i32 to index
        %get3A_1184 = arith.constant 96 : index
        %get3A_1185 = tpu.vector_load %arg7[%get3A_1183, %get3A_1184] {strides = array<i32>} : memref<128x128xf32, #tpu.memory_space<vmem>>, vector<1x16xf32>,
        %get3A_1186 = vector.shape_cast %get3A_1185 : vector<1x16xf32> to vector<16xf32>
        %mul3A_1187 = arith.mulf %get3A_1186, %broadcast_in_dim3A_1118 : vector<16xf32>
        %swap3A_1188 = arith.index_cast %add3A_1122 : i32 to index
        %swap3A_1189 = arith.constant 96 : index
        %swap3A_1190 = tpu.vector_load %arg7[%swap3A_1188, %swap3A_1189] {strides = array<i32>} : memref<128x128xf32, #tpu.memory_space<vmem>>, vector<1x16xf32>,
        %swap3A_1191 = vector.shape_cast %swap3A_1190 : vector<1x16xf32> to vector<16xf32>
        %swap3A_1192 = vector.shape_cast %mul3A_1187 : vector<16xf32> to vector<1x16xf32>
        tpu.vector_store %arg7[%swap3A_1188, %swap3A_1189], %swap3A_1192 {strides = array<i32>} : memref<128x128xf32, #tpu.memory_space<vmem>>, vector<1x16xf32>,
        %get3A_1193 = arith.index_cast %add3A_1122 : i32 to index
        %get3A_1194 = arith.constant 112 : index
        %get3A_1195 = tpu.vector_load %arg7[%get3A_1193, %get3A_1194] {strides = array<i32>} : memref<128x128xf32, #tpu.memory_space<vmem>>, vector<1x16xf32>,
        %get3A_1196 = vector.shape_cast %get3A_1195 : vector<1x16xf32> to vector<16xf32>
        %mul3A_1197 = arith.mulf %get3A_1196, %broadcast_in_dim3A_1118 : vector<16xf32>
        %swap3A_1198 = arith.index_cast %add3A_1122 : i32 to index
        %swap3A_1199 = arith.constant 112 : index
        %swap3A_1200 = tpu.vector_load %arg7[%swap3A_1198, %swap3A_1199] {strides = array<i32>} : memref<128x128xf32, #tpu.memory_space<vmem>>, vector<1x16xf32>,
        %swap3A_1201 = vector.shape_cast %swap3A_1200 : vector<1x16xf32> to vector<16xf32>
        %swap3A_1202 = vector.shape_cast %mul3A_1197 : vector<16xf32> to vector<1x16xf32>
        tpu.vector_store %arg7[%swap3A_1198, %swap3A_1199], %swap3A_1202 {strides = array<i32>} : memref<128x128xf32, #tpu.memory_space<vmem>>, vector<1x16xf32>,
        %slice3A_1203 = vector.extract_strided_slice %bitcast_convert_type3A {offsets = [13], sizes = [1], strides = [1]} : vector<16xf32> to vector<1xf32>
        %squeeze3A_1204 = vector.extract %slice3A_1203[0] : f32 from vector<1xf32>
        %broadcast_in_dim3A_1205 = vector.broadcast %squeeze3A_1204 : f32 to vector<16xf32>
        %mul3A_1206 = arith.constant 16 : i32
        %mul3A_1207 = arith.muli %scan3A_68, %mul3A_1206 : i32
        %add3A_1208 = arith.constant 13 : i32
        %add3A_1209 = arith.addi %mul3A_1207, %add3A_1208 : i32
        %get3A_1210 = arith.index_cast %add3A_1209 : i32 to index
        %get3A_1211 = arith.constant 0 : index
        %get3A_1212 = tpu.vector_load %arg7[%get3A_1210, %get3A_1211] {strides = array<i32>} : memref<128x128xf32, #tpu.memory_space<vmem>>, vector<1x16xf32>,
        %get3A_1213 = vector.shape_cast %get3A_1212 : vector<1x16xf32> to vector<16xf32>
        %mul3A_1214 = arith.mulf %get3A_1213, %broadcast_in_dim3A_1205 : vector<16xf32>
        %swap3A_1215 = arith.index_cast %add3A_1209 : i32 to index
        %swap3A_1216 = arith.constant 0 : index
        %swap3A_1217 = tpu.vector_load %arg7[%swap3A_1215, %swap3A_1216] {strides = array<i32>} : memref<128x128xf32, #tpu.memory_space<vmem>>, vector<1x16xf32>,
        %swap3A_1218 = vector.shape_cast %swap3A_1217 : vector<1x16xf32> to vector<16xf32>
        %swap3A_1219 = vector.shape_cast %mul3A_1214 : vector<16xf32> to vector<1x16xf32>
        tpu.vector_store %arg7[%swap3A_1215, %swap3A_1216], %swap3A_1219 {strides = array<i32>} : memref<128x128xf32, #tpu.memory_space<vmem>>, vector<1x16xf32>,
        %get3A_1220 = arith.index_cast %add3A_1209 : i32 to index
        %get3A_1221 = arith.constant 16 : index
        %get3A_1222 = tpu.vector_load %arg7[%get3A_1220, %get3A_1221] {strides = array<i32>} : memref<128x128xf32, #tpu.memory_space<vmem>>, vector<1x16xf32>,
        %get3A_1223 = vector.shape_cast %get3A_1222 : vector<1x16xf32> to vector<16xf32>
        %mul3A_1224 = arith.mulf %get3A_1223, %broadcast_in_dim3A_1205 : vector<16xf32>
        %swap3A_1225 = arith.index_cast %add3A_1209 : i32 to index
        %swap3A_1226 = arith.constant 16 : index
        %swap3A_1227 = tpu.vector_load %arg7[%swap3A_1225, %swap3A_1226] {strides = array<i32>} : memref<128x128xf32, #tpu.memory_space<vmem>>, vector<1x16xf32>,
        %swap3A_1228 = vector.shape_cast %swap3A_1227 : vector<1x16xf32> to vector<16xf32>
        %swap3A_1229 = vector.shape_cast %mul3A_1224 : vector<16xf32> to vector<1x16xf32>
        tpu.vector_store %arg7[%swap3A_1225, %swap3A_1226], %swap3A_1229 {strides = array<i32>} : memref<128x128xf32, #tpu.memory_space<vmem>>, vector<1x16xf32>,
        %get3A_1230 = arith.index_cast %add3A_1209 : i32 to index
        %get3A_1231 = arith.constant 32 : index
        %get3A_1232 = tpu.vector_load %arg7[%get3A_1230, %get3A_1231] {strides = array<i32>} : memref<128x128xf32, #tpu.memory_space<vmem>>, vector<1x16xf32>,
        %get3A_1233 = vector.shape_cast %get3A_1232 : vector<1x16xf32> to vector<16xf32>
        %mul3A_1234 = arith.mulf %get3A_1233, %broadcast_in_dim3A_1205 : vector<16xf32>
        %swap3A_1235 = arith.index_cast %add3A_1209 : i32 to index
        %swap3A_1236 = arith.constant 32 : index
        %swap3A_1237 = tpu.vector_load %arg7[%swap3A_1235, %swap3A_1236] {strides = array<i32>} : memref<128x128xf32, #tpu.memory_space<vmem>>, vector<1x16xf32>,
        %swap3A_1238 = vector.shape_cast %swap3A_1237 : vector<1x16xf32> to vector<16xf32>
        %swap3A_1239 = vector.shape_cast %mul3A_1234 : vector<16xf32> to vector<1x16xf32>
        tpu.vector_store %arg7[%swap3A_1235, %swap3A_1236], %swap3A_1239 {strides = array<i32>} : memref<128x128xf32, #tpu.memory_space<vmem>>, vector<1x16xf32>,
        %get3A_1240 = arith.index_cast %add3A_1209 : i32 to index
        %get3A_1241 = arith.constant 48 : index
        %get3A_1242 = tpu.vector_load %arg7[%get3A_1240, %get3A_1241] {strides = array<i32>} : memref<128x128xf32, #tpu.memory_space<vmem>>, vector<1x16xf32>,
        %get3A_1243 = vector.shape_cast %get3A_1242 : vector<1x16xf32> to vector<16xf32>
        %mul3A_1244 = arith.mulf %get3A_1243, %broadcast_in_dim3A_1205 : vector<16xf32>
        %swap3A_1245 = arith.index_cast %add3A_1209 : i32 to index
        %swap3A_1246 = arith.constant 48 : index
        %swap3A_1247 = tpu.vector_load %arg7[%swap3A_1245, %swap3A_1246] {strides = array<i32>} : memref<128x128xf32, #tpu.memory_space<vmem>>, vector<1x16xf32>,
        %swap3A_1248 = vector.shape_cast %swap3A_1247 : vector<1x16xf32> to vector<16xf32>
        %swap3A_1249 = vector.shape_cast %mul3A_1244 : vector<16xf32> to vector<1x16xf32>
        tpu.vector_store %arg7[%swap3A_1245, %swap3A_1246], %swap3A_1249 {strides = array<i32>} : memref<128x128xf32, #tpu.memory_space<vmem>>, vector<1x16xf32>,
        %get3A_1250 = arith.index_cast %add3A_1209 : i32 to index
        %get3A_1251 = arith.constant 64 : index
        %get3A_1252 = tpu.vector_load %arg7[%get3A_1250, %get3A_1251] {strides = array<i32>} : memref<128x128xf32, #tpu.memory_space<vmem>>, vector<1x16xf32>,
        %get3A_1253 = vector.shape_cast %get3A_1252 : vector<1x16xf32> to vector<16xf32>
        %mul3A_1254 = arith.mulf %get3A_1253, %broadcast_in_dim3A_1205 : vector<16xf32>
        %swap3A_1255 = arith.index_cast %add3A_1209 : i32 to index
        %swap3A_1256 = arith.constant 64 : index
        %swap3A_1257 = tpu.vector_load %arg7[%swap3A_1255, %swap3A_1256] {strides = array<i32>} : memref<128x128xf32, #tpu.memory_space<vmem>>, vector<1x16xf32>,
        %swap3A_1258 = vector.shape_cast %swap3A_1257 : vector<1x16xf32> to vector<16xf32>
        %swap3A_1259 = vector.shape_cast %mul3A_1254 : vector<16xf32> to vector<1x16xf32>
        tpu.vector_store %arg7[%swap3A_1255, %swap3A_1256], %swap3A_1259 {strides = array<i32>} : memref<128x128xf32, #tpu.memory_space<vmem>>, vector<1x16xf32>,
        %get3A_1260 = arith.index_cast %add3A_1209 : i32 to index
        %get3A_1261 = arith.constant 80 : index
        %get3A_1262 = tpu.vector_load %arg7[%get3A_1260, %get3A_1261] {strides = array<i32>} : memref<128x128xf32, #tpu.memory_space<vmem>>, vector<1x16xf32>,
        %get3A_1263 = vector.shape_cast %get3A_1262 : vector<1x16xf32> to vector<16xf32>
        %mul3A_1264 = arith.mulf %get3A_1263, %broadcast_in_dim3A_1205 : vector<16xf32>
        %swap3A_1265 = arith.index_cast %add3A_1209 : i32 to index
        %swap3A_1266 = arith.constant 80 : index
        %swap3A_1267 = tpu.vector_load %arg7[%swap3A_1265, %swap3A_1266] {strides = array<i32>} : memref<128x128xf32, #tpu.memory_space<vmem>>, vector<1x16xf32>,
        %swap3A_1268 = vector.shape_cast %swap3A_1267 : vector<1x16xf32> to vector<16xf32>
        %swap3A_1269 = vector.shape_cast %mul3A_1264 : vector<16xf32> to vector<1x16xf32>
        tpu.vector_store %arg7[%swap3A_1265, %swap3A_1266], %swap3A_1269 {strides = array<i32>} : memref<128x128xf32, #tpu.memory_space<vmem>>, vector<1x16xf32>,
        %get3A_1270 = arith.index_cast %add3A_1209 : i32 to index
        %get3A_1271 = arith.constant 96 : index
        %get3A_1272 = tpu.vector_load %arg7[%get3A_1270, %get3A_1271] {strides = array<i32>} : memref<128x128xf32, #tpu.memory_space<vmem>>, vector<1x16xf32>,
        %get3A_1273 = vector.shape_cast %get3A_1272 : vector<1x16xf32> to vector<16xf32>
        %mul3A_1274 = arith.mulf %get3A_1273, %broadcast_in_dim3A_1205 : vector<16xf32>
        %swap3A_1275 = arith.index_cast %add3A_1209 : i32 to index
        %swap3A_1276 = arith.constant 96 : index
        %swap3A_1277 = tpu.vector_load %arg7[%swap3A_1275, %swap3A_1276] {strides = array<i32>} : memref<128x128xf32, #tpu.memory_space<vmem>>, vector<1x16xf32>,
        %swap3A_1278 = vector.shape_cast %swap3A_1277 : vector<1x16xf32> to vector<16xf32>
        %swap3A_1279 = vector.shape_cast %mul3A_1274 : vector<16xf32> to vector<1x16xf32>
        tpu.vector_store %arg7[%swap3A_1275, %swap3A_1276], %swap3A_1279 {strides = array<i32>} : memref<128x128xf32, #tpu.memory_space<vmem>>, vector<1x16xf32>,
        %get3A_1280 = arith.index_cast %add3A_1209 : i32 to index
        %get3A_1281 = arith.constant 112 : index
        %get3A_1282 = tpu.vector_load %arg7[%get3A_1280, %get3A_1281] {strides = array<i32>} : memref<128x128xf32, #tpu.memory_space<vmem>>, vector<1x16xf32>,
        %get3A_1283 = vector.shape_cast %get3A_1282 : vector<1x16xf32> to vector<16xf32>
        %mul3A_1284 = arith.mulf %get3A_1283, %broadcast_in_dim3A_1205 : vector<16xf32>
        %swap3A_1285 = arith.index_cast %add3A_1209 : i32 to index
        %swap3A_1286 = arith.constant 112 : index
        %swap3A_1287 = tpu.vector_load %arg7[%swap3A_1285, %swap3A_1286] {strides = array<i32>} : memref<128x128xf32, #tpu.memory_space<vmem>>, vector<1x16xf32>,
        %swap3A_1288 = vector.shape_cast %swap3A_1287 : vector<1x16xf32> to vector<16xf32>
        %swap3A_1289 = vector.shape_cast %mul3A_1284 : vector<16xf32> to vector<1x16xf32>
        tpu.vector_store %arg7[%swap3A_1285, %swap3A_1286], %swap3A_1289 {strides = array<i32>} : memref<128x128xf32, #tpu.memory_space<vmem>>, vector<1x16xf32>,
        %slice3A_1290 = vector.extract_strided_slice %bitcast_convert_type3A {offsets = [14], sizes = [1], strides = [1]} : vector<16xf32> to vector<1xf32>
        %squeeze3A_1291 = vector.extract %slice3A_1290[0] : f32 from vector<1xf32>
        %broadcast_in_dim3A_1292 = vector.broadcast %squeeze3A_1291 : f32 to vector<16xf32>
        %mul3A_1293 = arith.constant 16 : i32
        %mul3A_1294 = arith.muli %scan3A_68, %mul3A_1293 : i32
        %add3A_1295 = arith.constant 14 : i32
        %add3A_1296 = arith.addi %mul3A_1294, %add3A_1295 : i32
        %get3A_1297 = arith.index_cast %add3A_1296 : i32 to index
        %get3A_1298 = arith.constant 0 : index
        %get3A_1299 = tpu.vector_load %arg7[%get3A_1297, %get3A_1298] {strides = array<i32>} : memref<128x128xf32, #tpu.memory_space<vmem>>, vector<1x16xf32>,
        %get3A_1300 = vector.shape_cast %get3A_1299 : vector<1x16xf32> to vector<16xf32>
        %mul3A_1301 = arith.mulf %get3A_1300, %broadcast_in_dim3A_1292 : vector<16xf32>
        %swap3A_1302 = arith.index_cast %add3A_1296 : i32 to index
        %swap3A_1303 = arith.constant 0 : index
        %swap3A_1304 = tpu.vector_load %arg7[%swap3A_1302, %swap3A_1303] {strides = array<i32>} : memref<128x128xf32, #tpu.memory_space<vmem>>, vector<1x16xf32>,
        %swap3A_1305 = vector.shape_cast %swap3A_1304 : vector<1x16xf32> to vector<16xf32>
        %swap3A_1306 = vector.shape_cast %mul3A_1301 : vector<16xf32> to vector<1x16xf32>
        tpu.vector_store %arg7[%swap3A_1302, %swap3A_1303], %swap3A_1306 {strides = array<i32>} : memref<128x128xf32, #tpu.memory_space<vmem>>, vector<1x16xf32>,
        %get3A_1307 = arith.index_cast %add3A_1296 : i32 to index
        %get3A_1308 = arith.constant 16 : index
        %get3A_1309 = tpu.vector_load %arg7[%get3A_1307, %get3A_1308] {strides = array<i32>} : memref<128x128xf32, #tpu.memory_space<vmem>>, vector<1x16xf32>,
        %get3A_1310 = vector.shape_cast %get3A_1309 : vector<1x16xf32> to vector<16xf32>
        %mul3A_1311 = arith.mulf %get3A_1310, %broadcast_in_dim3A_1292 : vector<16xf32>
        %swap3A_1312 = arith.index_cast %add3A_1296 : i32 to index
        %swap3A_1313 = arith.constant 16 : index
        %swap3A_1314 = tpu.vector_load %arg7[%swap3A_1312, %swap3A_1313] {strides = array<i32>} : memref<128x128xf32, #tpu.memory_space<vmem>>, vector<1x16xf32>,
        %swap3A_1315 = vector.shape_cast %swap3A_1314 : vector<1x16xf32> to vector<16xf32>
        %swap3A_1316 = vector.shape_cast %mul3A_1311 : vector<16xf32> to vector<1x16xf32>
        tpu.vector_store %arg7[%swap3A_1312, %swap3A_1313], %swap3A_1316 {strides = array<i32>} : memref<128x128xf32, #tpu.memory_space<vmem>>, vector<1x16xf32>,
        %get3A_1317 = arith.index_cast %add3A_1296 : i32 to index
        %get3A_1318 = arith.constant 32 : index
        %get3A_1319 = tpu.vector_load %arg7[%get3A_1317, %get3A_1318] {strides = array<i32>} : memref<128x128xf32, #tpu.memory_space<vmem>>, vector<1x16xf32>,
        %get3A_1320 = vector.shape_cast %get3A_1319 : vector<1x16xf32> to vector<16xf32>
        %mul3A_1321 = arith.mulf %get3A_1320, %broadcast_in_dim3A_1292 : vector<16xf32>
        %swap3A_1322 = arith.index_cast %add3A_1296 : i32 to index
        %swap3A_1323 = arith.constant 32 : index
        %swap3A_1324 = tpu.vector_load %arg7[%swap3A_1322, %swap3A_1323] {strides = array<i32>} : memref<128x128xf32, #tpu.memory_space<vmem>>, vector<1x16xf32>,
        %swap3A_1325 = vector.shape_cast %swap3A_1324 : vector<1x16xf32> to vector<16xf32>
        %swap3A_1326 = vector.shape_cast %mul3A_1321 : vector<16xf32> to vector<1x16xf32>
        tpu.vector_store %arg7[%swap3A_1322, %swap3A_1323], %swap3A_1326 {strides = array<i32>} : memref<128x128xf32, #tpu.memory_space<vmem>>, vector<1x16xf32>,
        %get3A_1327 = arith.index_cast %add3A_1296 : i32 to index
        %get3A_1328 = arith.constant 48 : index
        %get3A_1329 = tpu.vector_load %arg7[%get3A_1327, %get3A_1328] {strides = array<i32>} : memref<128x128xf32, #tpu.memory_space<vmem>>, vector<1x16xf32>,
        %get3A_1330 = vector.shape_cast %get3A_1329 : vector<1x16xf32> to vector<16xf32>
        %mul3A_1331 = arith.mulf %get3A_1330, %broadcast_in_dim3A_1292 : vector<16xf32>
        %swap3A_1332 = arith.index_cast %add3A_1296 : i32 to index
        %swap3A_1333 = arith.constant 48 : index
        %swap3A_1334 = tpu.vector_load %arg7[%swap3A_1332, %swap3A_1333] {strides = array<i32>} : memref<128x128xf32, #tpu.memory_space<vmem>>, vector<1x16xf32>,
        %swap3A_1335 = vector.shape_cast %swap3A_1334 : vector<1x16xf32> to vector<16xf32>
        %swap3A_1336 = vector.shape_cast %mul3A_1331 : vector<16xf32> to vector<1x16xf32>
        tpu.vector_store %arg7[%swap3A_1332, %swap3A_1333], %swap3A_1336 {strides = array<i32>} : memref<128x128xf32, #tpu.memory_space<vmem>>, vector<1x16xf32>,
        %get3A_1337 = arith.index_cast %add3A_1296 : i32 to index
        %get3A_1338 = arith.constant 64 : index
        %get3A_1339 = tpu.vector_load %arg7[%get3A_1337, %get3A_1338] {strides = array<i32>} : memref<128x128xf32, #tpu.memory_space<vmem>>, vector<1x16xf32>,
        %get3A_1340 = vector.shape_cast %get3A_1339 : vector<1x16xf32> to vector<16xf32>
        %mul3A_1341 = arith.mulf %get3A_1340, %broadcast_in_dim3A_1292 : vector<16xf32>
        %swap3A_1342 = arith.index_cast %add3A_1296 : i32 to index
        %swap3A_1343 = arith.constant 64 : index
        %swap3A_1344 = tpu.vector_load %arg7[%swap3A_1342, %swap3A_1343] {strides = array<i32>} : memref<128x128xf32, #tpu.memory_space<vmem>>, vector<1x16xf32>,
        %swap3A_1345 = vector.shape_cast %swap3A_1344 : vector<1x16xf32> to vector<16xf32>
        %swap3A_1346 = vector.shape_cast %mul3A_1341 : vector<16xf32> to vector<1x16xf32>
        tpu.vector_store %arg7[%swap3A_1342, %swap3A_1343], %swap3A_1346 {strides = array<i32>} : memref<128x128xf32, #tpu.memory_space<vmem>>, vector<1x16xf32>,
        %get3A_1347 = arith.index_cast %add3A_1296 : i32 to index
        %get3A_1348 = arith.constant 80 : index
        %get3A_1349 = tpu.vector_load %arg7[%get3A_1347, %get3A_1348] {strides = array<i32>} : memref<128x128xf32, #tpu.memory_space<vmem>>, vector<1x16xf32>,
        %get3A_1350 = vector.shape_cast %get3A_1349 : vector<1x16xf32> to vector<16xf32>
        %mul3A_1351 = arith.mulf %get3A_1350, %broadcast_in_dim3A_1292 : vector<16xf32>
        %swap3A_1352 = arith.index_cast %add3A_1296 : i32 to index
        %swap3A_1353 = arith.constant 80 : index
        %swap3A_1354 = tpu.vector_load %arg7[%swap3A_1352, %swap3A_1353] {strides = array<i32>} : memref<128x128xf32, #tpu.memory_space<vmem>>, vector<1x16xf32>,
        %swap3A_1355 = vector.shape_cast %swap3A_1354 : vector<1x16xf32> to vector<16xf32>
        %swap3A_1356 = vector.shape_cast %mul3A_1351 : vector<16xf32> to vector<1x16xf32>
        tpu.vector_store %arg7[%swap3A_1352, %swap3A_1353], %swap3A_1356 {strides = array<i32>} : memref<128x128xf32, #tpu.memory_space<vmem>>, vector<1x16xf32>,
        %get3A_1357 = arith.index_cast %add3A_1296 : i32 to index
        %get3A_1358 = arith.constant 96 : index
        %get3A_1359 = tpu.vector_load %arg7[%get3A_1357, %get3A_1358] {strides = array<i32>} : memref<128x128xf32, #tpu.memory_space<vmem>>, vector<1x16xf32>,
        %get3A_1360 = vector.shape_cast %get3A_1359 : vector<1x16xf32> to vector<16xf32>
        %mul3A_1361 = arith.mulf %get3A_1360, %broadcast_in_dim3A_1292 : vector<16xf32>
        %swap3A_1362 = arith.index_cast %add3A_1296 : i32 to index
        %swap3A_1363 = arith.constant 96 : index
        %swap3A_1364 = tpu.vector_load %arg7[%swap3A_1362, %swap3A_1363] {strides = array<i32>} : memref<128x128xf32, #tpu.memory_space<vmem>>, vector<1x16xf32>,
        %swap3A_1365 = vector.shape_cast %swap3A_1364 : vector<1x16xf32> to vector<16xf32>
        %swap3A_1366 = vector.shape_cast %mul3A_1361 : vector<16xf32> to vector<1x16xf32>
        tpu.vector_store %arg7[%swap3A_1362, %swap3A_1363], %swap3A_1366 {strides = array<i32>} : memref<128x128xf32, #tpu.memory_space<vmem>>, vector<1x16xf32>,
        %get3A_1367 = arith.index_cast %add3A_1296 : i32 to index
        %get3A_1368 = arith.constant 112 : index
        %get3A_1369 = tpu.vector_load %arg7[%get3A_1367, %get3A_1368] {strides = array<i32>} : memref<128x128xf32, #tpu.memory_space<vmem>>, vector<1x16xf32>,
        %get3A_1370 = vector.shape_cast %get3A_1369 : vector<1x16xf32> to vector<16xf32>
        %mul3A_1371 = arith.mulf %get3A_1370, %broadcast_in_dim3A_1292 : vector<16xf32>
        %swap3A_1372 = arith.index_cast %add3A_1296 : i32 to index
        %swap3A_1373 = arith.constant 112 : index
        %swap3A_1374 = tpu.vector_load %arg7[%swap3A_1372, %swap3A_1373] {strides = array<i32>} : memref<128x128xf32, #tpu.memory_space<vmem>>, vector<1x16xf32>,
        %swap3A_1375 = vector.shape_cast %swap3A_1374 : vector<1x16xf32> to vector<16xf32>
        %swap3A_1376 = vector.shape_cast %mul3A_1371 : vector<16xf32> to vector<1x16xf32>
        tpu.vector_store %arg7[%swap3A_1372, %swap3A_1373], %swap3A_1376 {strides = array<i32>} : memref<128x128xf32, #tpu.memory_space<vmem>>, vector<1x16xf32>,
        %slice3A_1377 = vector.extract_strided_slice %bitcast_convert_type3A {offsets = [15], sizes = [1], strides = [1]} : vector<16xf32> to vector<1xf32>
        %squeeze3A_1378 = vector.extract %slice3A_1377[0] : f32 from vector<1xf32>
        %broadcast_in_dim3A_1379 = vector.broadcast %squeeze3A_1378 : f32 to vector<16xf32>
        %mul3A_1380 = arith.constant 16 : i32
        %mul3A_1381 = arith.muli %scan3A_68, %mul3A_1380 : i32
        %add3A_1382 = arith.constant 15 : i32
        %add3A_1383 = arith.addi %mul3A_1381, %add3A_1382 : i32
        %get3A_1384 = arith.index_cast %add3A_1383 : i32 to index
        %get3A_1385 = arith.constant 0 : index
        %get3A_1386 = tpu.vector_load %arg7[%get3A_1384, %get3A_1385] {strides = array<i32>} : memref<128x128xf32, #tpu.memory_space<vmem>>, vector<1x16xf32>,
        %get3A_1387 = vector.shape_cast %get3A_1386 : vector<1x16xf32> to vector<16xf32>
        %mul3A_1388 = arith.mulf %get3A_1387, %broadcast_in_dim3A_1379 : vector<16xf32>
        %swap3A_1389 = arith.index_cast %add3A_1383 : i32 to index
        %swap3A_1390 = arith.constant 0 : index
        %swap3A_1391 = tpu.vector_load %arg7[%swap3A_1389, %swap3A_1390] {strides = array<i32>} : memref<128x128xf32, #tpu.memory_space<vmem>>, vector<1x16xf32>,
        %swap3A_1392 = vector.shape_cast %swap3A_1391 : vector<1x16xf32> to vector<16xf32>
        %swap3A_1393 = vector.shape_cast %mul3A_1388 : vector<16xf32> to vector<1x16xf32>
        tpu.vector_store %arg7[%swap3A_1389, %swap3A_1390], %swap3A_1393 {strides = array<i32>} : memref<128x128xf32, #tpu.memory_space<vmem>>, vector<1x16xf32>,
        %get3A_1394 = arith.index_cast %add3A_1383 : i32 to index
        %get3A_1395 = arith.constant 16 : index
        %get3A_1396 = tpu.vector_load %arg7[%get3A_1394, %get3A_1395] {strides = array<i32>} : memref<128x128xf32, #tpu.memory_space<vmem>>, vector<1x16xf32>,
        %get3A_1397 = vector.shape_cast %get3A_1396 : vector<1x16xf32> to vector<16xf32>
        %mul3A_1398 = arith.mulf %get3A_1397, %broadcast_in_dim3A_1379 : vector<16xf32>
        %swap3A_1399 = arith.index_cast %add3A_1383 : i32 to index
        %swap3A_1400 = arith.constant 16 : index
        %swap3A_1401 = tpu.vector_load %arg7[%swap3A_1399, %swap3A_1400] {strides = array<i32>} : memref<128x128xf32, #tpu.memory_space<vmem>>, vector<1x16xf32>,
        %swap3A_1402 = vector.shape_cast %swap3A_1401 : vector<1x16xf32> to vector<16xf32>
        %swap3A_1403 = vector.shape_cast %mul3A_1398 : vector<16xf32> to vector<1x16xf32>
        tpu.vector_store %arg7[%swap3A_1399, %swap3A_1400], %swap3A_1403 {strides = array<i32>} : memref<128x128xf32, #tpu.memory_space<vmem>>, vector<1x16xf32>,
        %get3A_1404 = arith.index_cast %add3A_1383 : i32 to index
        %get3A_1405 = arith.constant 32 : index
        %get3A_1406 = tpu.vector_load %arg7[%get3A_1404, %get3A_1405] {strides = array<i32>} : memref<128x128xf32, #tpu.memory_space<vmem>>, vector<1x16xf32>,
        %get3A_1407 = vector.shape_cast %get3A_1406 : vector<1x16xf32> to vector<16xf32>
        %mul3A_1408 = arith.mulf %get3A_1407, %broadcast_in_dim3A_1379 : vector<16xf32>
        %swap3A_1409 = arith.index_cast %add3A_1383 : i32 to index
        %swap3A_1410 = arith.constant 32 : index
        %swap3A_1411 = tpu.vector_load %arg7[%swap3A_1409, %swap3A_1410] {strides = array<i32>} : memref<128x128xf32, #tpu.memory_space<vmem>>, vector<1x16xf32>,
        %swap3A_1412 = vector.shape_cast %swap3A_1411 : vector<1x16xf32> to vector<16xf32>
        %swap3A_1413 = vector.shape_cast %mul3A_1408 : vector<16xf32> to vector<1x16xf32>
        tpu.vector_store %arg7[%swap3A_1409, %swap3A_1410], %swap3A_1413 {strides = array<i32>} : memref<128x128xf32, #tpu.memory_space<vmem>>, vector<1x16xf32>,
        %get3A_1414 = arith.index_cast %add3A_1383 : i32 to index
        %get3A_1415 = arith.constant 48 : index
        %get3A_1416 = tpu.vector_load %arg7[%get3A_1414, %get3A_1415] {strides = array<i32>} : memref<128x128xf32, #tpu.memory_space<vmem>>, vector<1x16xf32>,
        %get3A_1417 = vector.shape_cast %get3A_1416 : vector<1x16xf32> to vector<16xf32>
        %mul3A_1418 = arith.mulf %get3A_1417, %broadcast_in_dim3A_1379 : vector<16xf32>
        %swap3A_1419 = arith.index_cast %add3A_1383 : i32 to index
        %swap3A_1420 = arith.constant 48 : index
        %swap3A_1421 = tpu.vector_load %arg7[%swap3A_1419, %swap3A_1420] {strides = array<i32>} : memref<128x128xf32, #tpu.memory_space<vmem>>, vector<1x16xf32>,
        %swap3A_1422 = vector.shape_cast %swap3A_1421 : vector<1x16xf32> to vector<16xf32>
        %swap3A_1423 = vector.shape_cast %mul3A_1418 : vector<16xf32> to vector<1x16xf32>
        tpu.vector_store %arg7[%swap3A_1419, %swap3A_1420], %swap3A_1423 {strides = array<i32>} : memref<128x128xf32, #tpu.memory_space<vmem>>, vector<1x16xf32>,
        %get3A_1424 = arith.index_cast %add3A_1383 : i32 to index
        %get3A_1425 = arith.constant 64 : index
        %get3A_1426 = tpu.vector_load %arg7[%get3A_1424, %get3A_1425] {strides = array<i32>} : memref<128x128xf32, #tpu.memory_space<vmem>>, vector<1x16xf32>,
        %get3A_1427 = vector.shape_cast %get3A_1426 : vector<1x16xf32> to vector<16xf32>
        %mul3A_1428 = arith.mulf %get3A_1427, %broadcast_in_dim3A_1379 : vector<16xf32>
        %swap3A_1429 = arith.index_cast %add3A_1383 : i32 to index
        %swap3A_1430 = arith.constant 64 : index
        %swap3A_1431 = tpu.vector_load %arg7[%swap3A_1429, %swap3A_1430] {strides = array<i32>} : memref<128x128xf32, #tpu.memory_space<vmem>>, vector<1x16xf32>,
        %swap3A_1432 = vector.shape_cast %swap3A_1431 : vector<1x16xf32> to vector<16xf32>
        %swap3A_1433 = vector.shape_cast %mul3A_1428 : vector<16xf32> to vector<1x16xf32>
        tpu.vector_store %arg7[%swap3A_1429, %swap3A_1430], %swap3A_1433 {strides = array<i32>} : memref<128x128xf32, #tpu.memory_space<vmem>>, vector<1x16xf32>,
        %get3A_1434 = arith.index_cast %add3A_1383 : i32 to index
        %get3A_1435 = arith.constant 80 : index
        %get3A_1436 = tpu.vector_load %arg7[%get3A_1434, %get3A_1435] {strides = array<i32>} : memref<128x128xf32, #tpu.memory_space<vmem>>, vector<1x16xf32>,
        %get3A_1437 = vector.shape_cast %get3A_1436 : vector<1x16xf32> to vector<16xf32>
        %mul3A_1438 = arith.mulf %get3A_1437, %broadcast_in_dim3A_1379 : vector<16xf32>
        %swap3A_1439 = arith.index_cast %add3A_1383 : i32 to index
        %swap3A_1440 = arith.constant 80 : index
        %swap3A_1441 = tpu.vector_load %arg7[%swap3A_1439, %swap3A_1440] {strides = array<i32>} : memref<128x128xf32, #tpu.memory_space<vmem>>, vector<1x16xf32>,
        %swap3A_1442 = vector.shape_cast %swap3A_1441 : vector<1x16xf32> to vector<16xf32>
        %swap3A_1443 = vector.shape_cast %mul3A_1438 : vector<16xf32> to vector<1x16xf32>
        tpu.vector_store %arg7[%swap3A_1439, %swap3A_1440], %swap3A_1443 {strides = array<i32>} : memref<128x128xf32, #tpu.memory_space<vmem>>, vector<1x16xf32>,
        %get3A_1444 = arith.index_cast %add3A_1383 : i32 to index
        %get3A_1445 = arith.constant 96 : index
        %get3A_1446 = tpu.vector_load %arg7[%get3A_1444, %get3A_1445] {strides = array<i32>} : memref<128x128xf32, #tpu.memory_space<vmem>>, vector<1x16xf32>,
        %get3A_1447 = vector.shape_cast %get3A_1446 : vector<1x16xf32> to vector<16xf32>
        %mul3A_1448 = arith.mulf %get3A_1447, %broadcast_in_dim3A_1379 : vector<16xf32>
        %swap3A_1449 = arith.index_cast %add3A_1383 : i32 to index
        %swap3A_1450 = arith.constant 96 : index
        %swap3A_1451 = tpu.vector_load %arg7[%swap3A_1449, %swap3A_1450] {strides = array<i32>} : memref<128x128xf32, #tpu.memory_space<vmem>>, vector<1x16xf32>,
        %swap3A_1452 = vector.shape_cast %swap3A_1451 : vector<1x16xf32> to vector<16xf32>
        %swap3A_1453 = vector.shape_cast %mul3A_1448 : vector<16xf32> to vector<1x16xf32>
        tpu.vector_store %arg7[%swap3A_1449, %swap3A_1450], %swap3A_1453 {strides = array<i32>} : memref<128x128xf32, #tpu.memory_space<vmem>>, vector<1x16xf32>,
        %get3A_1454 = arith.index_cast %add3A_1383 : i32 to index
        %get3A_1455 = arith.constant 112 : index
        %get3A_1456 = tpu.vector_load %arg7[%get3A_1454, %get3A_1455] {strides = array<i32>} : memref<128x128xf32, #tpu.memory_space<vmem>>, vector<1x16xf32>,
        %get3A_1457 = vector.shape_cast %get3A_1456 : vector<1x16xf32> to vector<16xf32>
        %mul3A_1458 = arith.mulf %get3A_1457, %broadcast_in_dim3A_1379 : vector<16xf32>
        %swap3A_1459 = arith.index_cast %add3A_1383 : i32 to index
        %swap3A_1460 = arith.constant 112 : index
        %swap3A_1461 = tpu.vector_load %arg7[%swap3A_1459, %swap3A_1460] {strides = array<i32>} : memref<128x128xf32, #tpu.memory_space<vmem>>, vector<1x16xf32>,
        %swap3A_1462 = vector.shape_cast %swap3A_1461 : vector<1x16xf32> to vector<16xf32>
        %swap3A_1463 = vector.shape_cast %mul3A_1458 : vector<16xf32> to vector<1x16xf32>
        tpu.vector_store %arg7[%swap3A_1459, %swap3A_1460], %swap3A_1463 {strides = array<i32>} : memref<128x128xf32, #tpu.memory_space<vmem>>, vector<1x16xf32>,
        %scan3A_1464 = arith.constant 0 : i32
        scf.yield %scan3A_1464 : i32
      }
      %scan3A_66 = arith.constant 8 : i32
      %run_scoped3A = arith.constant 1 : i32
      "tpu.region"() ({
        %run_scoped3A_68 = tpu.sem_alloc : memref<!tpu.dma_semaphore, #tpu.memory_space<semaphore_mem>>
        %dma_start3A_69 = arith.constant 0 : i32
        %dma_start3A_70 = tpu.memref_slice %arg6[%run_scoped3A, %dma_start3A_69] : memref<3x128xi32, #tpu.memory_space<vmem>> -> memref<1x128xi32, #tpu.memory_space<vmem>>
        %dma_start3A_71 = tpu.memref_squeeze %dma_start3A_70 : memref<1x128xi32, #tpu.memory_space<vmem>> -> memref<128xi32, #tpu.memory_space<vmem>>
        %dma_start3A_72 = arith.constant 0 : i32
        %dma_start3A_73 = arith.constant 0 : i32
        %dma_start3A_74 = tpu.memref_slice %arg5[%dma_start3A_72, %dma_start3A_73] : memref<10000x128xf32, #tpu.memory_space<vmem_shared>> -> memref<10000x128xf32, #tpu.memory_space<vmem_shared>>
        tpu.enqueue_indirect_dma source(%arg7 : memref<128x128xf32, #tpu.memory_space<vmem>>) target(%dma_start3A_74 : memref<10000x128xf32, #tpu.memory_space<vmem_shared>>) offsets(%dma_start3A_71 : memref<128xi32, #tpu.memory_space<vmem>>) semaphore(%run_scoped3A_68 : memref<!tpu.dma_semaphore, #tpu.memory_space<semaphore_mem>>) {add = true}
        %dma_wait3A_75 = arith.constant 0 : i32
        %dma_wait3A_76 = tpu.memref_slice %arg6[%run_scoped3A, %dma_wait3A_75] : memref<3x128xi32, #tpu.memory_space<vmem>> -> memref<1x128xi32, #tpu.memory_space<vmem>>
        %dma_wait3A_77 = tpu.memref_squeeze %dma_wait3A_76 : memref<1x128xi32, #tpu.memory_space<vmem>> -> memref<128xi32, #tpu.memory_space<vmem>>
        %dma_wait3A_78 = arith.constant 0 : i32
        %dma_wait3A_79 = arith.constant 0 : i32
        %dma_wait3A_80 = tpu.memref_slice %arg5[%dma_wait3A_78, %dma_wait3A_79] : memref<10000x128xf32, #tpu.memory_space<vmem_shared>> -> memref<10000x128xf32, #tpu.memory_space<vmem_shared>>
        tpu.wait_indirect_dma semaphore(%run_scoped3A_68 : memref<!tpu.dma_semaphore, #tpu.memory_space<semaphore_mem>>) src(%arg7 : memref<128x128xf32, #tpu.memory_space<vmem>>) dst(%dma_wait3A_80 : memref<10000x128xf32, #tpu.memory_space<vmem_shared>>)
        tpu.yield
      }) : () -> ()
      %scan3A_67 = arith.constant 0 : i32
      scf.yield %scan3A_67 : i32
    }
    %scan3A_44 = arith.constant 79 : i32
    %barrier3A_45 = arith.constant 0 : index
    tpu.barrier barrier_id(%barrier3A_45)
    "tpu.region"() ({
      %run_scoped3A = tpu.sem_alloc : memref<!tpu.dma_semaphore, #tpu.memory_space<semaphore_mem>>
      %dma_start3A = arith.constant 0 : i32
      %dma_start3A_46 = arith.constant 0 : i32
      %dma_start3A_47 = tpu.memref_slice %arg4[%arg0, %dma_start3A, %dma_start3A_46] : memref<2x10000x128xf32, #tpu.memory_space<hbm>> -> memref<1x10000x128xf32, #tpu.memory_space<hbm>>
      %dma_start3A_48 = tpu.memref_squeeze %dma_start3A_47 : memref<1x10000x128xf32, #tpu.memory_space<hbm>> -> memref<10000x128xf32, #tpu.memory_space<hbm>>
      %dma_start3A_49 = arith.constant 0 : i32
      %dma_start3A_50 = tpu.memref_slice %dma_start3A_48[%min3A_27, %dma_start3A_49] : memref<10000x128xf32, #tpu.memory_space<hbm>> -> memref<632x128xf32, #tpu.memory_space<hbm>>
      %dma_start3A_51 = arith.constant 0 : i32
      %dma_start3A_52 = tpu.memref_slice %arg5[%min3A_27, %dma_start3A_51] : memref<10000x128xf32, #tpu.memory_space<vmem_shared>> -> memref<632x128xf32, #tpu.memory_space<vmem_shared>>
      tpu.enqueue_dma source(%dma_start3A_52 : memref<632x128xf32, #tpu.memory_space<vmem_shared>>) target(%dma_start3A_50 : memref<632x128xf32, #tpu.memory_space<hbm>>) target_semaphore(%run_scoped3A : memref<!tpu.dma_semaphore, #tpu.memory_space<semaphore_mem>>)
      %dma_wait3A = arith.constant 0 : i32
      %dma_wait3A_53 = arith.constant 0 : i32
      %dma_wait3A_54 = tpu.memref_slice %arg4[%arg0, %dma_wait3A, %dma_wait3A_53] : memref<2x10000x128xf32, #tpu.memory_space<hbm>> -> memref<1x10000x128xf32, #tpu.memory_space<hbm>>
      %dma_wait3A_55 = tpu.memref_squeeze %dma_wait3A_54 : memref<1x10000x128xf32, #tpu.memory_space<hbm>> -> memref<10000x128xf32, #tpu.memory_space<hbm>>
      %dma_wait3A_56 = arith.constant 0 : i32
      %dma_wait3A_57 = tpu.memref_slice %dma_wait3A_55[%min3A_27, %dma_wait3A_56] : memref<10000x128xf32, #tpu.memory_space<hbm>> -> memref<632x128xf32, #tpu.memory_space<hbm>>
      %dma_wait3A_58 = arith.constant 0 : i32
      %dma_wait3A_59 = tpu.memref_slice %arg5[%min3A_27, %dma_wait3A_58] : memref<10000x128xf32, #tpu.memory_space<vmem_shared>> -> memref<632x128xf32, #tpu.memory_space<vmem_shared>>
      tpu.wait_dma2 semaphore(%run_scoped3A : memref<!tpu.dma_semaphore, #tpu.memory_space<semaphore_mem>>) src(%dma_wait3A_59 : memref<632x128xf32, #tpu.memory_space<vmem_shared>>) dst(%dma_wait3A_57 : memref<632x128xf32, #tpu.memory_space<hbm>>)
      tpu.yield
    }) : () -> ()
    return
  }
}

module attributes {stable_mosaic.version = 14 : i64} {
  func.func @_mm_body(%arg0: i32, %arg1: memref<2x1000x128xf32, #tpu.memory_space<vmem>>, %arg2: memref<128x128xf32, #tpu.memory_space<vmem>>, %arg3: memref<1000x128xf32, #tpu.memory_space<vmem>>) attributes {dimension_semantics = [#tpu.dimension_semantics<arbitrary>], iteration_bounds = array<i64: 10>, scalar_prefetch = 0 : i64, scratch_operands = 0 : i64, tpu.core_type = #tpu.core_type<tc>, window_params = [{transform_indices = @transform_0, window_bounds = array<i64: 2, 1000, 128>}, {pipeline_mode = #tpu.pipeline_mode<synchronous>, transform_indices = @transform_1, window_bounds = array<i64: 128, 128>}, {transform_indices = @transform_2, window_bounds = array<i64: 1000, 128>}]} {
    %get3A = arith.constant 0 : index
    %get3A_0 = arith.constant 0 : index
    %get3A_1 = arith.constant 0 : index
    %get3A_2 = vector.load %arg1[%get3A, %get3A_0, %get3A_1] : memref<2x1000x128xf32, #tpu.memory_space<vmem>>, vector<1x1000x128xf32>
    %get3A_3 = vector.shape_cast %get3A_2 : vector<1x1000x128xf32> to vector<1000x128xf32>
    %get3A_4 = arith.constant 1 : index
    %get3A_5 = arith.constant 0 : index
    %get3A_6 = arith.constant 0 : index
    %get3A_7 = vector.load %arg1[%get3A_4, %get3A_5, %get3A_6] : memref<2x1000x128xf32, #tpu.memory_space<vmem>>, vector<1x1000x128xf32>
    %get3A_8 = vector.shape_cast %get3A_7 : vector<1x1000x128xf32> to vector<1000x128xf32>
    %add3A = arith.addf %get3A_3, %get3A_8 : vector<1000x128xf32>
    %get3A_9 = arith.constant 0 : index
    %get3A_10 = arith.constant 0 : index
    %get3A_11 = vector.load %arg2[%get3A_9, %get3A_10] : memref<128x128xf32, #tpu.memory_space<vmem>>, vector<128x128xf32>
    %dot_general3A = arith.constant dense<0.000000e+00> : vector<1000x128xf32>
    %dot_general3A_12 = tpu.matmul %add3A, %get3A_11, %dot_general3A {dimension_numbers = #tpu.dot_dimension_numbers<[1], [0], [0], [1], [0, 0, 1, 1], [], []>, transpose_lhs_hint = false} : vector<1000x128xf32>, vector<128x128xf32>, vector<1000x128xf32> -> vector<1000x128xf32>
    %swap3A = arith.constant 0 : index
    %swap3A_13 = arith.constant 0 : index
    %swap3A_14 = vector.load %arg3[%swap3A, %swap3A_13] : memref<1000x128xf32, #tpu.memory_space<vmem>>, vector<1000x128xf32>
    tpu.vector_store %arg3[%swap3A, %swap3A_13], %dot_general3A_12 {strides = array<i32>} : memref<1000x128xf32, #tpu.memory_space<vmem>>, vector<1000x128xf32>,
    return
  }
  func.func @transform_0(%arg0: i32) -> (i32, i32, i32) {
    %c0_i32 = arith.constant 0 : i32
    %c0_i32_0 = arith.constant 0 : i32
    %c0_i32_1 = arith.constant 0 : i32
    return %c0_i32, %arg0, %c0_i32_0 : i32, i32, i32
  }
  func.func @transform_1(%arg0: i32) -> (i32, i32) {
    %c0_i32 = arith.constant 0 : i32
    %c0_i32_0 = arith.constant 0 : i32
    %c0_i32_1 = arith.constant 0 : i32
    return %c0_i32, %c0_i32_0 : i32, i32
  }
  func.func @transform_2(%arg0: i32) -> (i32, i32) {
    %c0_i32 = arith.constant 0 : i32
    %c0_i32_0 = arith.constant 0 : i32
    return %arg0, %c0_i32 : i32, i32
  }
}

</mosaic_0001>

<sc_bundles>
// kernel: kernel.4.cloned.1.call-start
scs
__scs_entry_jumppad:
0x0: {  	(pc) =	sbr.rel $0x88, $3  }
0x1: {  	(tag) =	ssettag $0x0;
	lr =	simm.s32 $0x1  }
0x2: {  	[smem:$0x3F9D] =	sst lr;
	_ =	strace $0xD0000000  }
0x3: {  	_ = 	snop  }
0x4: {  	_ = 	snop  }
0x5: {  	_ = 	snop  }
0x6: {  	_ = 	snop  }
0x7: {  	_ = 	snop  }
__scs_overlays_trampoline_lowered:
0x8: {  	[smem:$0x3FAC] =	sst s0  }
0x9: {  	[smem:$0x3FAD] =	sst s1  }
0xa: {  	[smem:$0x3FAE] =	sst s2  }
0xb: {  	[smem:$0x3FAF] =	sst s3  }
0xc: {  	[smem:$0x3FB0] =	sst s4  }
0xd: {  	[smem:$0x3FB1] =	sst s5  }
0xe: {  	[smem:$0x3FB2] =	sst s6  }
0xf: {  	[smem:$0x3FB3] =	sst s7  }
0x10: {  	[smem:$0x3FB4] =	sst s8  }
0x11: {  	[smem:$0x3FB5] =	sst s9;
	s0 =	simm.s32 @!p0 $0x0  }
0x12: {  	s1 =	sld [smem:$0x3F9B];
	s0 =	simm.s32 @p0 $0x1  }
0x13: {  	[smem:$0x3FB6] =	sst s0;
	s0 =	simm.s32 @!p1 $0x0  }
0x14: {  	s2 =	sld [smem:$0x3F9A];
	s0 =	simm.s32 @p1 $0x1  }
0x15: {  	[smem:$0x3FB7] =	sst s0;
	s0 =	simm.s32 @!p2 $0x0  }
0x16: {  	s3 =	sld [smem:$0x3FDB];
	s0 =	simm.s32 @p2 $0x1  }
0x17: {  	s4 =	simm.s32 $0x1BF5;
	[smem:$0x3FB9] =	sst s0  }
0x18: {  	s0 =	sld [smem:$0x3F9C];
	_ =	swait.ge [sflag:s4], $0x0  }
0x19: {  	s7 =	sld [smem:$0x3F9D]  }
0x1a: {  	s8 =	sadd.s32 $0xFFFFE003, lr  }
0x1b: {  	s9 =	sadd.s32 $0xFFFFFEF7, lr;
	s5 =	simm.s32 $0xFFFFFFFF;
	p2 =	slt.u32 s8, $0xFFFFF086  }
0x1c: {  	p1 =	slt.u32 s9, $0xF7A;
	s5 =	simm.s32 @!p2 $0x0  }
0x1d: {  	s5 =	simm.s32 @p1 $0x1;
	p0 =	seq.s32 s7, s2  }
0x1e: {  	s7 =	smul.u32 @!p0 $0xF7A, s2;
	p2 =	seq.s32 @!p0 s5, $0x0  }
0x1f: {  	s9 =	smul.u32 $0xF7A, s1;
	s8 =	simm.s32 @!p0 $0x1BF5;
	p2 =	por !p2, p0  }
0x20: {  	[sflag:s8] =	ssyncset.s32 @!p0 $0xFFFFF086;
	s6 =	sadd.s32 @!p0 s3, s7;
	s7 =	simm.s32 @!p0 $0x108  }
0x21: {  	s3 =	sadd.s32 s3, s9;
	s6 =	sadd.s32 @!p0 $0x88, s6;
	s7 =	simm.s32 @p2 $0x1082  }
0x22: {  	[simem:s7], [sflag:s8] =	dma.local @!p0 [hbm:s6], $0xF7A  }
0x23: {  	s9 =	sor.u32 $0xD0000000, s2;
	s6 =	simm.s32 $0x108;
	_ =	swait.ge @!p0 [sflag:s8], $0x0  }
0x24: {  	s3 =	sadd.s32 $0x88, s3;
	s6 =	simm.s32 @!p1 $0x1082;
	[sflag:s4] =	ssyncset.s32 $0xFFFFF086  }
0x25: {  	[simem:s6], [sflag:s4] =	dma.local [hbm:s3], $0xF7A  }
0x26: {  	[smem:$0x3F9D] =	sst s1;
	(tag) =	ssettag s2;
	_ =	strace s9  }
0x27: {  	s1 =	sld [smem:$0x3FAD]  }
0x28: {  	s2 =	sld [smem:$0x3FAE]  }
0x29: {  	s4 =	sld [smem:$0x3FB0]  }
0x2a: {  	p0 =	seq.s32 s5, $0x0;
	s5 =	sld [smem:$0x3FB1]  }
0x2b: {  	s6 =	sld [smem:$0x3FB2]  }
0x2c: {  	s7 =	sld [smem:$0x3FB3]  }
0x2d: {  	s3 =	simm.s32 $0x108;
	s8 =	sld [smem:$0x3FB4]  }
0x2e: {  	s3 =	simm.s32 @!p0 $0x1082;
	s9 =	sld [smem:$0x3FB5]  }
0x2f: {  	lr =	sadd.s32 s0, s3;
	s0 =	sld [smem:$0x3FAC]  }
0x30: {  	s3 =	sld [smem:$0x3FAF]  }
0x31: {  	[smem:$0x3FB8] =	sst s10  }
0x32: {  	s10 =	sld [smem:$0x3FB6];
	_ =	sdelay $0x3  }
0x33: {  	p0 =	seq.s32 s10, $0x1;
	s10 =	sld [smem:$0x3FB8];
	_ =	sdelay $0x3  }
0x34: {  	[smem:$0x3FB8] =	sst s10  }
0x35: {  	s10 =	sld [smem:$0x3FB7];
	_ =	sdelay $0x3  }
0x36: {  	p1 =	seq.s32 s10, $0x1;
	s10 =	sld [smem:$0x3FB8];
	_ =	sdelay $0x3  }
0x37: {  	[smem:$0x3FB8] =	sst s10  }
0x38: {  	s10 =	sld [smem:$0x3FB9]  }
0x39: {  	_ = 	snop;
	(pc) =	sbr.ind lr, $3  }
0x3a: {  	_ = 	snop  }
0x3b: {  	_ = 	snop  }
0x3c: {  	p2 =	seq.s32 s10, $0x1;
	s10 =	sld [smem:$0x3FB8]  }
0x3d: {  	_ =	shalt  }
0x3e: {  	_ =	shalt  }
0x3f: {  	_ =	shalt  }
0x40: {  	_ =	shalt  }
0x41: {  	_ =	shalt  }
0x42: {  	_ =	shalt  }
0x43: {  	_ =	shalt  }
0x44: {  	_ =	shalt  }
0x45: {  	_ =	shalt  }
0x46: {  	_ =	shalt  }
0x47: {  	_ =	shalt  }
0x48: {  	_ =	shalt  }
0x49: {  	_ =	shalt  }
0x4a: {  	_ =	shalt  }
0x4b: {  	_ =	shalt  }
0x4c: {  	_ =	shalt  }
0x4d: {  	_ =	shalt  }
0x4e: {  	_ =	shalt  }
0x4f: {  	_ =	shalt  }
0x50: {  	_ =	shalt  }
0x51: {  	_ =	shalt  }
0x52: {  	_ =	shalt  }
0x53: {  	_ =	shalt  }
0x54: {  	_ =	shalt  }
0x55: {  	_ =	shalt  }
0x56: {  	_ =	shalt  }
0x57: {  	_ =	shalt  }
0x58: {  	_ =	shalt  }
0x59: {  	_ =	shalt  }
0x5a: {  	_ =	shalt  }
0x5b: {  	_ =	shalt  }
0x5c: {  	_ =	shalt  }
0x5d: {  	_ =	shalt  }
0x5e: {  	_ =	shalt  }
0x5f: {  	_ =	shalt  }
0x60: {  	_ =	shalt  }
0x61: {  	_ =	shalt  }
0x62: {  	_ =	shalt  }
0x63: {  	_ =	shalt  }
0x64: {  	_ =	shalt  }
0x65: {  	_ =	shalt  }
0x66: {  	_ =	shalt  }
0x67: {  	_ =	shalt  }
0x68: {  	_ =	shalt  }
0x69: {  	_ =	shalt  }
0x6a: {  	_ =	shalt  }
0x6b: {  	_ =	shalt  }
0x6c: {  	_ =	shalt  }
0x6d: {  	_ =	shalt  }
0x6e: {  	_ =	shalt  }
0x6f: {  	_ =	shalt  }
0x70: {  	_ =	shalt  }
0x71: {  	_ =	shalt  }
0x72: {  	_ =	shalt  }
0x73: {  	_ =	shalt  }
0x74: {  	_ =	shalt  }
0x75: {  	_ =	shalt  }
0x76: {  	_ =	shalt  }
0x77: {  	_ =	shalt  }
0x78: {  	_ =	shalt  }
0x79: {  	_ =	shalt  }
0x7a: {  	_ =	shalt  }
0x7b: {  	_ =	shalt  }
0x7c: {  	_ =	shalt  }
0x7d: {  	_ =	shalt  }
0x7e: {  	_ =	shalt  }
0x7f: {  	_ =	shalt  }
0x80: {  	_ =	shalt  }
0x81: {  	_ =	shalt  }
0x82: {  	_ =	shalt  }
0x83: {  	_ =	shalt  }
0x84: {  	_ =	shalt  }
0x85: {  	_ =	shalt  }
0x86: {  	_ =	shalt  }
0x87: {  	_ =	shalt  }
.Lfunc_end0:
.L_simem_size_0:
called_computation_lowered:
.L_overlay_start_0:
0x88: {  	s2 =	sld [smem:$0x3FD9]  }
0x89: {  	s3 =	sld [smem:$0x3FFE];
	_ =	sdelay $0x1  }
0x8a: {  	s1 =	srdreg.scid  }
0x8b: {  	s0 =	sand.u32 $0x1, s1  }
0x8c: {  	s17 =	sshll.u32 s0, $0xA;
	s2 =	sadd.s32 s3, s2  }
0x8d: {  	s2 =	sadd.s32 s2, s17  }
0x8e: {  	[smem:$0x3FC4] =	sst s2  }
0x8f: {  	_ = 	snop  }
0x90: {  	s2 =	sld [smem:$0x3FC9];
	(tm) =	ssettm $0x1  }
0x91: {  	s18 =	sld [smem:$0x3FFB];
	_ =	sdelay $0x3  }
0x92: {  	_ =	strace s18  }
0x93: {  	s3 =	sld [smem:$0x3FFC];
	_ =	sdelay $0x3  }
0x94: {  	_ =	strace s3  }
0x95: {  	s3 =	sld [smem:$0x3FFD];
	_ =	sdelay $0x3  }
0x96: {  	_ =	strace s3  }
0x97: {  	_ =	strace $0x8FFFFFFF  }
0x98: {  	s19 =	sld [smem:$0x3FDB];
	_ =	sdelay $0x1  }
0x99: {  	s4 =	simm.s32 $_scs_section_size  }
0x9a: {  	s5 =	simm.s32 $_size__tile_overlayer_lowered;
	s6 =	simm.s32 $_tile_overlayer_lowered  }
0x9b: {  	s22 =	simm.s32 $0x1BFF;
	s21 =	sshll.u32 s6, $0x1;
	s3 =	sadd.s32 s4, s19  }
0x9c: {  	s7 =	simm.s32 $0x0;
	s20 =	sshll.u32 s5, $0x1;
	s5 =	sadd.s32 s21, s3  }
0x9d: {  	[timem:s7], [sflag:s22] =	dma.local [hbm:s5], s20  }
0x9e: {  	_ =	swait.ge [sflag:s22], s20  }
0x9f: {  	s4 =	ssub.s32 $0x0, s20;
	[sflag:s22] =	ssyncset.done $0x0  }
0xa0: {  	[sflag:s22] =	ssyncadd.s32 s4;
	_ =	sdelay $0x1  }
0xa1: {  	s23 =	simm.s32 $0x1B8B  }
0xa2: {  	_ =	swait.ge [sflag:s23], $0x1  }
0xa3: {  	[sflag:s23] =	ssyncset.done $0x0  }
0xa4: {  	s25 =	simm.s32 $0x1B8E;
	s24 =	sld [smem:$0x3FFE];
	[sflag:s23] =	ssyncadd.s32 $0xFFFFFFFF  }
0xa5: {  	s26 =	simm.s32 $execute0_lowered;
	[smem:$0x3FD2] =	sst s25  }
0xa6: {  	s5 =	sshll.u32 s26, $0x1;
	_ =	strace $0x80000046;
	[dreg:$0x1] =	wrdreg $0xFFFFFFFF  }
0xa7: {  	s28 =	simm.s32 $_size_execute0_lowered;
	s3 =	sadd.s32 s3, s5;
	[dreg:$0x0] =	wrdreg $0x0  }
0xa8: {  	s5 =	sshll.u32 s28, $0x1;
	[dreg:$0x2] =	wrdreg s3  }
0xa9: {  	[dreg:$0x3] =	wrdreg s5  }
0xaa: {  	[dreg:$0x4] =	wrdreg $0xC0  }
0xab: {  	_ =	task [dreg:s7], $0x5FFFF  }
0xac: {  	[dreg:$0x1] =	wrdreg $0xFFFFFFFF  }
0xad: {  	[dreg:$0x0] =	wrdreg $0x60  }
0xae: {  	[dreg:$0x2] =	wrdreg s2  }
0xaf: {  	[dreg:$0x3] =	wrdreg s24  }
0xb0: {  	[dreg:$0x4] =	wrdreg $0x0  }
0xb1: {  	[dreg:$0x5] =	wrdreg $0x9  }
0xb2: {  	_ =	task.clear_ibuf [dreg:s7], $0x6FFFF;
	_ =	strace $0x90000046  }
0xb3: {  	s29 =	simm.s32 $0x9;
	_ =	strace $0x80000048  }
0xb4: {  	_ =	swait.ge [sflag:s29], $0x1  }
0xb5: {  	[sflag:s29] =	ssyncadd.s32 $0xFFFFFFFF  }
0xb6: {  	_ =	strace $0x90000048  }
0xb7: {  	_ =	sfence  }
0xb8: {  	s30 =	sld [smem:$0x0];
	_ =	sdelay $0x2  }
0xb9: {  	s31 =	sshll.u32 s1, $0xD;
	s1 =	sshrl.u32 s1, $0x2  }
0xba: {  	s3 =	sand.u32 $0x4000, s31;
	s1 =	sadd.s32 s1, s30  }
0xbb: {  	s0 =	sor.u32 s3, s0;
	s1 =	sshll.u32 s1, $0x11  }
0xbc: {  	s0 =	sor.u32 s1, s0  }
0xbd: {  	s0 =	sadd.s32 $0x8F2B, s0  }
0xbe: {  	[sflag:s0] =	ssyncadd.remote.s32 $0x1  }
0xbf: {  	_ =	sfence.sel $0xFFFF  }
0xc0: {  	[dreg:$0x0] =	wrdreg $0xFFFFFFFF;
	(pc) =	sbr.abs _section_cstart, $3  }
0xc1: {  	[dreg:$0x1] =	wrdreg $0xFFFFFFFF  }
0xc2: {  	_ =	task.clear_ibuf [dreg:s7], $0x2FFFF;
	_ =	strace $0x9FFFFFFF  }
0xc3: {  	(tm) =	ssettm $0x7FFFFFFF  }
tec
execute0_lowered:
.L_overlay_start_1:
0x0: {  	(tag) =	ssettag $0x1  }
0x1: {  	s1 =	rddreg [dreg:$0x0]  }
0x2: {  	s6 =	rddreg [dreg:$0x1]  }
0x3: {  	s3 =	rddreg [dreg:$0x2]  }
0x4: {  	s0 =	rddreg [dreg:$0x3];
	s5 =	srdreg.scid  }
0x5: {  	s2 =	stileid.u32;
	s4 =	simm.s32 $0x0;
	s15 =	simm.s32 $0x13880  }
0x6: {  	s16 =	simm.s32 $0x80;
	s17 =	simm.s32 $0x1;
	s18 =	simm.s32 $0x13900  }
0x7: {  	s7 =	sand.u32 $0x1, s5;
	s8 =	smul.u32 $0x271, s2;
	[smem:$0x7FF] =	sst s4  }
0x8: {  	s5 =	sadd.s32 $0x200, s6;
	s21 =	sshll.u32 s2, $0x6;
	s9 =	smul.u32 $0x27100, s7  }
0x9: {  	_ =	strace $0x80000047;
	s29 =	ssub.s32 $0x2, s7;
	s7 =	sshll.u32 s7, $0x4  }
0xa: {  	s8 =	sand.u32 $0x3FF8, s8;
	s30 =	sshrl.u32 s29, $0x1;
	s11 =	sor.u32 s2, s7  }
0xb: {  	s12 =	sadd.s32 s9, s6;
	s13 =	smin.u32 s8, $0x2498;
	s14 =	ssub.s32 s29, s30  }
0xc: {  	s11 =	smul.u32 $0x9E00, s11;
	s31 =	sshll.u32 s13, $0x7;
	s19 =	sadd.s32 $0x27A00, s12  }
0xd: {  	s20 =	sshll.u32 s13, $0x4;
	s12 =	smax.u32 s14, $0x1;
	s13 =	simm.s32 $0x13A80  }
0xe: {  	s14 =	simm.s32 $0x2;
	s6 =	sadd.s32 s31, s3;
	s19 =	sadd.s32 s20, s19  }
0xf: {  	s20 =	sor.u32 $0x1C02, s21;
	s7 =	sadd.s32 $0x4000, s6;
	s8 =	sadd.s32 $0x8000, s6  }
0x10: {  	v0 =	vimm.f32 $0.0e+00;
	s9 =	sadd.s32 $0xC000, s6;
	s10 =	sadd.s32 $0x10000, s6;
	s21 =	sshrl.u32 s6, $0x3  }
.LBB2_1:
0x11: {  	s22 =	simm.s32 $0x0;
	s23 =	simm.s32 $0x200  }
.LBB2_2:
0x12: {  	p0 =	sne.s32 s23, $0xFE00;
	[tilespmem:s22+$0x13AF0] =	vst v0  }
0x13: {  	[tilespmem:s22+$0x13A80] =	vst v0  }
0x14: {  	[tilespmem:s22+$0x13A90] =	vst v0  }
.Ltmp0:
0x15: {  	[tilespmem:s22+$0x13AA0] =	vst v0;
	(pc) =	sbr.rel @p0 .LBB2_2-.Ltmp0, $4  }
0x16: {  	[tilespmem:s22+$0x13AB0] =	vst v0  }
0x17: {  	[tilespmem:s22+$0x13AC0] =	vst v0  }
0x18: {  	[tilespmem:s22+$0x13AD0] =	vst v0  }
0x19: {  	[tilespmem:s22+$0x13AE0] =	vst v0;
	s22 =	sshra.s32 s23, $0x2;
	s23 =	sadd.s32 $0x200, s23  }
0x1a: {  	[tilespmem:s22+$0x13AF0] =	vst v0  }
0x1b: {  	[tilespmem:s22+$0x13A80] =	vst v0  }
0x1c: {  	[tilespmem:s22+$0x13A90] =	vst v0  }
0x1d: {  	[tilespmem:s22+$0x13AA0] =	vst v0  }
0x1e: {  	[tilespmem:s22+$0x13AB0] =	vst v0  }
0x1f: {  	[tilespmem:s22+$0x13AC0] =	vst v0  }
0x20: {  	[tilespmem:s22+$0x13AD0] =	vst v0  }
0x21: {  	[tilespmem:s22+$0x13AE0] =	vst v0  }
0x22: {  	[spmem:s6] =	stream.linear.scatter [tilespmem:s13], [sflag:$0x2], $0x4000, $0x38;
	[tilespmem:$0x17A80] =	vst v63  }
0x23: {  	_ =	swait.ge [sflag:s14], $0x4000  }
0x24: {  	[sflag:s14] =	ssyncset.done $0x0  }
0x25: {  	[sflag:s14] =	ssyncadd.s32 $0xFFFFC000  }
0x26: {  	[spmem:s7] =	stream.linear.scatter [tilespmem:s13], [sflag:$0x2], $0x4000, $0x38;
	[tilespmem:$0x17A80] =	vst v63  }
0x27: {  	_ =	swait.ge [sflag:s14], $0x4000  }
0x28: {  	[sflag:s14] =	ssyncset.done $0x0  }
0x29: {  	[sflag:s14] =	ssyncadd.s32 $0xFFFFC000  }
0x2a: {  	[spmem:s8] =	stream.linear.scatter [tilespmem:s13], [sflag:$0x2], $0x4000, $0x38;
	[tilespmem:$0x17A80] =	vst v63  }
0x2b: {  	_ =	swait.ge [sflag:s14], $0x4000  }
0x2c: {  	[sflag:s14] =	ssyncset.done $0x0  }
0x2d: {  	[sflag:s14] =	ssyncadd.s32 $0xFFFFC000  }
0x2e: {  	[spmem:s9] =	stream.linear.scatter [tilespmem:s13], [sflag:$0x2], $0x4000, $0x38;
	[tilespmem:$0x17A80] =	vst v63  }
0x2f: {  	_ =	swait.ge [sflag:s14], $0x4000  }
0x30: {  	[sflag:s14] =	ssyncset.done $0x0  }
0x31: {  	[sflag:s14] =	ssyncadd.s32 $0xFFFFC000  }
0x32: {  	[spmem:s10] =	stream.linear.scatter [tilespmem:s13], [sflag:$0x2], $0x3C00, $0x38;
	[tilespmem:$0x17A80] =	vst v63  }
0x33: {  	_ =	swait.ge [sflag:s14], $0x3C00  }
0x34: {  	[sflag:s14] =	ssyncset.done $0x0  }
0x35: {  	[sflag:s14] =	ssyncadd.s32 $0xFFFFC400  }
0x36: {  	s22 =	simm.s32 $0x0;
	s23 =	simm.s32 $0x0;
	[bflag:$0x0] =	sbarrier.arrive $0xFFFF  }
.LBB2_4:
0x37: {  	s24 =	sshll.u32 s23, $0x9  }
0x38: {  	s24 =	sadd.s32 s11, s24  }
0x39: {  	s24 =	sshrl.u32 s24, $0x3  }
0x3a: {  	s24 =	sadd.s32 s5, s24  }
0x3b: {  	[tilespmem:s15], [sflag:$0x2] =	stream.linear.gather [hbm4b:s24+s22], $0x180, $0x38;
	[tilespmem:$0x17A80] =	vst v63  }
0x3c: {  	_ =	swait.ge [sflag:s14], $0x180  }
0x3d: {  	[sflag:s14] =	ssyncset.done $0x0  }
0x3e: {  	[sflag:s14] =	ssyncadd.s32 $0xFFFFFE80  }
0x3f: {  	[tilespmem:s13], [sflag:$0x1] =	stream.indirect.gather [hbm4b:s1+s16], $0x80, s15, s16, $0xb8;
	[tilespmem:$0x17A80] =	vst v63  }
0x40: {  	_ =	swait.ge [sflag:s17], $0x4000  }
0x41: {  	[sflag:s17] =	ssyncset.done $0x0  }
0x42: {  	s24 =	simm.s32 $0x0;
	[sflag:s17] =	ssyncadd.s32 $0xFFFFC000  }
.LBB2_5:
0x43: {  	s25 =	sshll.u32 s24, $0x4  }
0x44: {  	s25 =	sand.u32 $0x3FFFFFF0, s25  }
0x45: {  	s31 =	sshll.u32 s24, $0xB;
	v1 =	vld [tilespmem:s25+$0x13980]  }
0x46: {  	s25 =	sand.u32 $0x3FFFF800, s31  }
0x47: {  	v2 =	vld [tilespmem:s25+$0x13A80]  }
0x48: {  	v3 =	vld [tilespmem:s25+$0x13A90]  }
0x49: {  	v4 =	vld [tilespmem:s25+$0x13AA0]  }
0x4a: {  	v6 =	vld [tilespmem:s25+$0x13AB0];
	v5 =	vbroadcast v1, $0x0  }
0x4b: {  	v7 =	vld [tilespmem:s25+$0x13AC0]  }
0x4c: {  	v8 =	vld [tilespmem:s25+$0x13AD0];
	v2 =	vmul.f32 v5, v2  }
0x4d: {  	v9 =	vld [tilespmem:s25+$0x13AE0];
	v3 =	vmul.f32 v3, v5  }
0x4e: {  	v34 =	vld [tilespmem:s25+$0x13AF0];
	[tilespmem:s25+$0x13A80] =	vst v2;
	v2 =	vmul.f32 v4, v5  }
0x4f: {  	v35 =	vld [tilespmem:s25+$0x13B00];
	[tilespmem:s25+$0x13A90] =	vst v3;
	v3 =	vmul.f32 v6, v5  }
0x50: {  	v36 =	vld [tilespmem:s25+$0x13B10];
	[tilespmem:s25+$0x13AA0] =	vst v2;
	v2 =	vmul.f32 v7, v5  }
0x51: {  	v37 =	vld [tilespmem:s25+$0x13B20];
	[tilespmem:s25+$0x13AB0] =	vst v3;
	v3 =	vmul.f32 v8, v5  }
0x52: {  	v10 =	vld [tilespmem:s25+$0x13B30];
	v38 =	vbroadcast v1, $0x1;
	[tilespmem:s25+$0x13AC0] =	vst v2;
	v2 =	vmul.f32 v9, v5  }
0x53: {  	v39 =	vld [tilespmem:s25+$0x13B40];
	[tilespmem:s25+$0x13AD0] =	vst v3;
	v3 =	vmul.f32 v34, v5  }
0x54: {  	v40 =	vld [tilespmem:s25+$0x13B50];
	[tilespmem:s25+$0x13AE0] =	vst v2;
	v2 =	vmul.f32 v35, v38  }
0x55: {  	v41 =	vld [tilespmem:s25+$0x13B60];
	[tilespmem:s25+$0x13AF0] =	vst v3;
	v3 =	vmul.f32 v36, v38  }
0x56: {  	v42 =	vld [tilespmem:s25+$0x13B70];
	[tilespmem:s25+$0x13B00] =	vst v2;
	v2 =	vmul.f32 v37, v38  }
0x57: {  	v43 =	vld [tilespmem:s25+$0x13B80];
	[tilespmem:s25+$0x13B10] =	vst v3;
	v3 =	vmul.f32 v10, v38  }
0x58: {  	v44 =	vld [tilespmem:s25+$0x13B90];
	[tilespmem:s25+$0x13B20] =	vst v2;
	v2 =	vmul.f32 v39, v38  }
0x59: {  	v45 =	vld [tilespmem:s25+$0x13BA0];
	[tilespmem:s25+$0x13B30] =	vst v3;
	v3 =	vmul.f32 v40, v38  }
0x5a: {  	v47 =	vld [tilespmem:s25+$0x13BB0];
	v46 =	vbroadcast v1, $0x2;
	[tilespmem:s25+$0x13B40] =	vst v2;
	v2 =	vmul.f32 v41, v38  }
0x5b: {  	v48 =	vld [tilespmem:s25+$0x13BC0];
	[tilespmem:s25+$0x13B50] =	vst v3;
	v3 =	vmul.f32 v42, v38  }
0x5c: {  	v49 =	vld [tilespmem:s25+$0x13BD0];
	[tilespmem:s25+$0x13B60] =	vst v2;
	v2 =	vmul.f32 v43, v46  }
0x5d: {  	v50 =	vld [tilespmem:s25+$0x13BE0];
	[tilespmem:s25+$0x13B70] =	vst v3;
	v3 =	vmul.f32 v44, v46  }
0x5e: {  	v51 =	vld [tilespmem:s25+$0x13BF0];
	[tilespmem:s25+$0x13B80] =	vst v2;
	v2 =	vmul.f32 v45, v46  }
0x5f: {  	v52 =	vld [tilespmem:s25+$0x13C00];
	[tilespmem:s25+$0x13B90] =	vst v3;
	v3 =	vmul.f32 v47, v46  }
0x60: {  	v53 =	vld [tilespmem:s25+$0x13C10];
	[tilespmem:s25+$0x13BA0] =	vst v2;
	v2 =	vmul.f32 v48, v46  }
0x61: {  	v54 =	vld [tilespmem:s25+$0x13C20];
	[tilespmem:s25+$0x13BB0] =	vst v3;
	v3 =	vmul.f32 v49, v46  }
0x62: {  	v56 =	vld [tilespmem:s25+$0x13C30];
	v55 =	vbroadcast v1, $0x3;
	[tilespmem:s25+$0x13BC0] =	vst v2;
	v2 =	vmul.f32 v50, v46  }
0x63: {  	v57 =	vld [tilespmem:s25+$0x13C40];
	[tilespmem:s25+$0x13BD0] =	vst v3;
	v3 =	vmul.f32 v51, v46  }
0x64: {  	v58 =	vld [tilespmem:s25+$0x13C50];
	[tilespmem:s25+$0x13BE0] =	vst v2;
	v2 =	vmul.f32 v52, v55  }
0x65: {  	v59 =	vld [tilespmem:s25+$0x13C60];
	[tilespmem:s25+$0x13BF0] =	vst v3;
	v3 =	vmul.f32 v53, v55  }
0x66: {  	v60 =	vld [tilespmem:s25+$0x13C70];
	[tilespmem:s25+$0x13C00] =	vst v2;
	v2 =	vmul.f32 v54, v55  }
0x67: {  	v61 =	vld [tilespmem:s25+$0x13C80];
	[tilespmem:s25+$0x13C10] =	vst v3;
	v3 =	vmul.f32 v56, v55  }
0x68: {  	v62 =	vld [tilespmem:s25+$0x13C90];
	[tilespmem:s25+$0x13C20] =	vst v2;
	v2 =	vmul.f32 v57, v55  }
0x69: {  	v63 =	vld [tilespmem:s25+$0x13CA0];
	[tilespmem:s25+$0x13C30] =	vst v3;
	v3 =	vmul.f32 v58, v55  }
0x6a: {  	v13 =	vld [tilespmem:s25+$0x13CB0];
	v12 =	vbroadcast v1, $0x4;
	[tilespmem:s25+$0x13C40] =	vst v2;
	v2 =	vmul.f32 v59, v55  }
0x6b: {  	v14 =	vld [tilespmem:s25+$0x13CC0];
	[tilespmem:s25+$0x13C50] =	vst v3;
	v3 =	vmul.f32 v60, v55  }
0x6c: {  	v15 =	vld [tilespmem:s25+$0x13CD0];
	[tilespmem:s25+$0x13C60] =	vst v2;
	v2 =	vmul.f32 v61, v12  }
0x6d: {  	v16 =	vld [tilespmem:s25+$0x13CE0];
	[tilespmem:s25+$0x13C70] =	vst v3;
	v3 =	vmul.f32 v62, v12  }
0x6e: {  	v17 =	vld [tilespmem:s25+$0x13CF0];
	[tilespmem:s25+$0x13C80] =	vst v2;
	v2 =	vmul.f32 v63, v12  }
0x6f: {  	v18 =	vld [tilespmem:s25+$0x13D00];
	[tilespmem:s25+$0x13C90] =	vst v3;
	v3 =	vmul.f32 v13, v12  }
0x70: {  	v19 =	vld [tilespmem:s25+$0x13D10];
	[tilespmem:s25+$0x13CA0] =	vst v2;
	v2 =	vmul.f32 v14, v12  }
0x71: {  	v20 =	vld [tilespmem:s25+$0x13D20];
	[tilespmem:s25+$0x13CB0] =	vst v3;
	v3 =	vmul.f32 v15, v12  }
0x72: {  	v22 =	vld [tilespmem:s25+$0x13D30];
	v21 =	vbroadcast v1, $0x5;
	[tilespmem:s25+$0x13CC0] =	vst v2;
	v2 =	vmul.f32 v16, v12  }
0x73: {  	v23 =	vld [tilespmem:s25+$0x13D40];
	[tilespmem:s25+$0x13CD0] =	vst v3;
	v3 =	vmul.f32 v17, v12  }
0x74: {  	v24 =	vld [tilespmem:s25+$0x13D50];
	[tilespmem:s25+$0x13CE0] =	vst v2;
	v2 =	vmul.f32 v18, v21  }
0x75: {  	v25 =	vld [tilespmem:s25+$0x13D60];
	[tilespmem:s25+$0x13CF0] =	vst v3;
	v3 =	vmul.f32 v19, v21  }
0x76: {  	v26 =	vld [tilespmem:s25+$0x13D70];
	[tilespmem:s25+$0x13D00] =	vst v2;
	v2 =	vmul.f32 v20, v21  }
0x77: {  	v27 =	vld [tilespmem:s25+$0x13D80];
	[tilespmem:s25+$0x13D10] =	vst v3;
	v3 =	vmul.f32 v22, v21  }
0x78: {  	v28 =	vld [tilespmem:s25+$0x13D90];
	[tilespmem:s25+$0x13D20] =	vst v2;
	v2 =	vmul.f32 v23, v21  }
0x79: {  	v29 =	vld [tilespmem:s25+$0x13DA0];
	[tilespmem:s25+$0x13D30] =	vst v3;
	v3 =	vmul.f32 v24, v21  }
0x7a: {  	v31 =	vld [tilespmem:s25+$0x13DB0];
	v30 =	vbroadcast v1, $0x6;
	[tilespmem:s25+$0x13D40] =	vst v2;
	v2 =	vmul.f32 v25, v21  }
0x7b: {  	v32 =	vld [tilespmem:s25+$0x13DC0];
	[tilespmem:s25+$0x13D50] =	vst v3;
	v3 =	vmul.f32 v26, v21  }
0x7c: {  	v33 =	vld [tilespmem:s25+$0x13DD0];
	[tilespmem:s25+$0x13D60] =	vst v2;
	v2 =	vmul.f32 v27, v30  }
0x7d: {  	v34 =	vld [tilespmem:s25+$0x13DE0];
	[tilespmem:s25+$0x13D70] =	vst v3;
	v3 =	vmul.f32 v28, v30  }
0x7e: {  	v35 =	vld [tilespmem:s25+$0x13DF0];
	[tilespmem:s25+$0x13D80] =	vst v2;
	v2 =	vmul.f32 v29, v30  }
0x7f: {  	v36 =	vld [tilespmem:s25+$0x13E00];
	[tilespmem:s25+$0x13D90] =	vst v3;
	v3 =	vmul.f32 v31, v30  }
0x80: {  	v37 =	vld [tilespmem:s25+$0x13E10];
	[tilespmem:s25+$0x13DA0] =	vst v2;
	v2 =	vmul.f32 v32, v30  }
0x81: {  	v38 =	vld [tilespmem:s25+$0x13E20];
	[tilespmem:s25+$0x13DB0] =	vst v3;
	v3 =	vmul.f32 v33, v30  }
0x82: {  	v39 =	vbroadcast v1, $0x7;
	v40 =	vld [tilespmem:s25+$0x13E30];
	[tilespmem:s25+$0x13DC0] =	vst v2;
	v2 =	vmul.f32 v34, v30  }
0x83: {  	v41 =	vld [tilespmem:s25+$0x13E40];
	[tilespmem:s25+$0x13DD0] =	vst v3;
	v3 =	vmul.f32 v35, v30  }
0x84: {  	v42 =	vld [tilespmem:s25+$0x13E50];
	[tilespmem:s25+$0x13DE0] =	vst v2;
	v2 =	vmul.f32 v36, v39  }
0x85: {  	v43 =	vld [tilespmem:s25+$0x13E60];
	[tilespmem:s25+$0x13DF0] =	vst v3;
	v3 =	vmul.f32 v37, v39  }
0x86: {  	v44 =	vld [tilespmem:s25+$0x13E70];
	[tilespmem:s25+$0x13E00] =	vst v2;
	v2 =	vmul.f32 v38, v39  }
0x87: {  	v45 =	vld [tilespmem:s25+$0x13E80];
	[tilespmem:s25+$0x13E10] =	vst v3;
	v3 =	vmul.f32 v40, v39  }
0x88: {  	v46 =	vld [tilespmem:s25+$0x13E90];
	[tilespmem:s25+$0x13E20] =	vst v2;
	v2 =	vmul.f32 v41, v39  }
0x89: {  	v47 =	vld [tilespmem:s25+$0x13EA0];
	[tilespmem:s25+$0x13E30] =	vst v3;
	v3 =	vmul.f32 v42, v39  }
0x8a: {  	v48 =	vbroadcast v1, $0x8;
	v49 =	vld [tilespmem:s25+$0x13EB0];
	[tilespmem:s25+$0x13E40] =	vst v2;
	v2 =	vmul.f32 v43, v39  }
0x8b: {  	v50 =	vld [tilespmem:s25+$0x13EC0];
	[tilespmem:s25+$0x13E50] =	vst v3;
	v3 =	vmul.f32 v44, v39  }
0x8c: {  	v51 =	vld [tilespmem:s25+$0x13ED0];
	[tilespmem:s25+$0x13E60] =	vst v2;
	v2 =	vmul.f32 v45, v48  }
0x8d: {  	v52 =	vld [tilespmem:s25+$0x13EE0];
	[tilespmem:s25+$0x13E70] =	vst v3;
	v3 =	vmul.f32 v46, v48  }
0x8e: {  	v53 =	vld [tilespmem:s25+$0x13EF0];
	[tilespmem:s25+$0x13E80] =	vst v2;
	v2 =	vmul.f32 v47, v48  }
0x8f: {  	v54 =	vld [tilespmem:s25+$0x13F00];
	[tilespmem:s25+$0x13E90] =	vst v3;
	v3 =	vmul.f32 v49, v48  }
0x90: {  	v55 =	vld [tilespmem:s25+$0x13F10];
	[tilespmem:s25+$0x13EA0] =	vst v2;
	v2 =	vmul.f32 v50, v48  }
0x91: {  	v56 =	vld [tilespmem:s25+$0x13F20];
	[tilespmem:s25+$0x13EB0] =	vst v3;
	v3 =	vmul.f32 v51, v48  }
0x92: {  	v57 =	vbroadcast v1, $0x9;
	v58 =	vld [tilespmem:s25+$0x13F30];
	[tilespmem:s25+$0x13EC0] =	vst v2;
	v2 =	vmul.f32 v52, v48  }
0x93: {  	v59 =	vld [tilespmem:s25+$0x13F40];
	[tilespmem:s25+$0x13ED0] =	vst v3;
	v3 =	vmul.f32 v53, v48  }
0x94: {  	v60 =	vld [tilespmem:s25+$0x13F50];
	[tilespmem:s25+$0x13EE0] =	vst v2;
	v2 =	vmul.f32 v54, v57  }
0x95: {  	v61 =	vld [tilespmem:s25+$0x13F60];
	[tilespmem:s25+$0x13EF0] =	vst v3;
	v3 =	vmul.f32 v55, v57  }
0x96: {  	v62 =	vld [tilespmem:s25+$0x13F70];
	[tilespmem:s25+$0x13F00] =	vst v2;
	v2 =	vmul.f32 v56, v57  }
0x97: {  	v63 =	vld [tilespmem:s25+$0x13F80];
	[tilespmem:s25+$0x13F10] =	vst v3;
	v3 =	vmul.f32 v58, v57  }
0x98: {  	v12 =	vld [tilespmem:s25+$0x13F90];
	[tilespmem:s25+$0x13F20] =	vst v2;
	v2 =	vmul.f32 v59, v57  }
0x99: {  	v13 =	vld [tilespmem:s25+$0x13FA0];
	[tilespmem:s25+$0x13F30] =	vst v3;
	v3 =	vmul.f32 v60, v57  }
0x9a: {  	v14 =	vbroadcast v1, $0xA;
	v15 =	vld [tilespmem:s25+$0x13FB0];
	[tilespmem:s25+$0x13F40] =	vst v2;
	v2 =	vmul.f32 v61, v57  }
0x9b: {  	v16 =	vld [tilespmem:s25+$0x13FC0];
	[tilespmem:s25+$0x13F50] =	vst v3;
	v3 =	vmul.f32 v62, v57  }
0x9c: {  	v17 =	vld [tilespmem:s25+$0x13FD0];
	[tilespmem:s25+$0x13F60] =	vst v2;
	v2 =	vmul.f32 v63, v14  }
0x9d: {  	v18 =	vld [tilespmem:s25+$0x13FE0];
	[tilespmem:s25+$0x13F70] =	vst v3;
	v3 =	vmul.f32 v12, v14  }
0x9e: {  	v19 =	vld [tilespmem:s25+$0x13FF0];
	[tilespmem:s25+$0x13F80] =	vst v2;
	v2 =	vmul.f32 v13, v14  }
0x9f: {  	v20 =	vld [tilespmem:s25+$0x14000];
	[tilespmem:s25+$0x13F90] =	vst v3;
	v3 =	vmul.f32 v15, v14  }
0xa0: {  	v21 =	vld [tilespmem:s25+$0x14010];
	[tilespmem:s25+$0x13FA0] =	vst v2;
	v2 =	vmul.f32 v16, v14  }
0xa1: {  	v22 =	vld [tilespmem:s25+$0x14020];
	[tilespmem:s25+$0x13FB0] =	vst v3;
	v3 =	vmul.f32 v17, v14  }
0xa2: {  	v23 =	vbroadcast v1, $0xB;
	v24 =	vld [tilespmem:s25+$0x14030];
	[tilespmem:s25+$0x13FC0] =	vst v2;
	v2 =	vmul.f32 v18, v14  }
0xa3: {  	v25 =	vld [tilespmem:s25+$0x14040];
	[tilespmem:s25+$0x13FD0] =	vst v3;
	v3 =	vmul.f32 v19, v14  }
0xa4: {  	v26 =	vld [tilespmem:s25+$0x14050];
	[tilespmem:s25+$0x13FE0] =	vst v2;
	v2 =	vmul.f32 v20, v23  }
0xa5: {  	v27 =	vld [tilespmem:s25+$0x14060];
	[tilespmem:s25+$0x13FF0] =	vst v3;
	v3 =	vmul.f32 v21, v23  }
0xa6: {  	v28 =	vld [tilespmem:s25+$0x14070];
	[tilespmem:s25+$0x14000] =	vst v2;
	v2 =	vmul.f32 v22, v23  }
0xa7: {  	v29 =	vld [tilespmem:s25+$0x14080];
	[tilespmem:s25+$0x14010] =	vst v3;
	v3 =	vmul.f32 v24, v23  }
0xa8: {  	v30 =	vld [tilespmem:s25+$0x14090];
	[tilespmem:s25+$0x14020] =	vst v2;
	v2 =	vmul.f32 v25, v23  }
0xa9: {  	v31 =	vld [tilespmem:s25+$0x140A0];
	[tilespmem:s25+$0x14030] =	vst v3;
	v3 =	vmul.f32 v26, v23  }
0xaa: {  	v32 =	vbroadcast v1, $0xC;
	v33 =	vld [tilespmem:s25+$0x140B0];
	[tilespmem:s25+$0x14040] =	vst v2;
	v2 =	vmul.f32 v27, v23  }
0xab: {  	v34 =	vld [tilespmem:s25+$0x140C0];
	[tilespmem:s25+$0x14050] =	vst v3;
	v3 =	vmul.f32 v28, v23  }
0xac: {  	v35 =	vld [tilespmem:s25+$0x140D0];
	[tilespmem:s25+$0x14060] =	vst v2;
	v2 =	vmul.f32 v29, v32  }
0xad: {  	v36 =	vld [tilespmem:s25+$0x140E0];
	[tilespmem:s25+$0x14070] =	vst v3;
	v3 =	vmul.f32 v30, v32  }
0xae: {  	v37 =	vld [tilespmem:s25+$0x140F0];
	[tilespmem:s25+$0x14080] =	vst v2;
	v2 =	vmul.f32 v31, v32  }
0xaf: {  	v38 =	vld [tilespmem:s25+$0x14100];
	[tilespmem:s25+$0x14090] =	vst v3;
	v3 =	vmul.f32 v33, v32  }
0xb0: {  	v39 =	vld [tilespmem:s25+$0x14110];
	[tilespmem:s25+$0x140A0] =	vst v2;
	v2 =	vmul.f32 v34, v32  }
0xb1: {  	v40 =	vld [tilespmem:s25+$0x14120];
	[tilespmem:s25+$0x140B0] =	vst v3;
	v3 =	vmul.f32 v35, v32  }
0xb2: {  	v41 =	vbroadcast v1, $0xD;
	v42 =	vld [tilespmem:s25+$0x14130];
	[tilespmem:s25+$0x140C0] =	vst v2;
	v2 =	vmul.f32 v36, v32  }
0xb3: {  	v43 =	vld [tilespmem:s25+$0x14140];
	[tilespmem:s25+$0x140D0] =	vst v3;
	v3 =	vmul.f32 v37, v32  }
0xb4: {  	v44 =	vld [tilespmem:s25+$0x14150];
	[tilespmem:s25+$0x140E0] =	vst v2;
	v2 =	vmul.f32 v38, v41  }
0xb5: {  	v45 =	vld [tilespmem:s25+$0x14160];
	[tilespmem:s25+$0x140F0] =	vst v3;
	v3 =	vmul.f32 v39, v41  }
0xb6: {  	v46 =	vld [tilespmem:s25+$0x14170];
	[tilespmem:s25+$0x14100] =	vst v2;
	v2 =	vmul.f32 v40, v41  }
0xb7: {  	v47 =	vld [tilespmem:s25+$0x14180];
	[tilespmem:s25+$0x14110] =	vst v3;
	v3 =	vmul.f32 v42, v41  }
0xb8: {  	v48 =	vld [tilespmem:s25+$0x14190];
	[tilespmem:s25+$0x14120] =	vst v2;
	v2 =	vmul.f32 v43, v41  }
0xb9: {  	v49 =	vld [tilespmem:s25+$0x141A0];
	[tilespmem:s25+$0x14130] =	vst v3;
	v3 =	vmul.f32 v44, v41  }
0xba: {  	v50 =	vbroadcast v1, $0xE;
	v51 =	vld [tilespmem:s25+$0x141B0];
	[tilespmem:s25+$0x14140] =	vst v2;
	v2 =	vmul.f32 v45, v41  }
0xbb: {  	v52 =	vld [tilespmem:s25+$0x141C0];
	[tilespmem:s25+$0x14150] =	vst v3;
	v3 =	vmul.f32 v46, v41  }
0xbc: {  	v53 =	vld [tilespmem:s25+$0x141D0];
	[tilespmem:s25+$0x14160] =	vst v2;
	v2 =	vmul.f32 v47, v50  }
0xbd: {  	v54 =	vld [tilespmem:s25+$0x141E0];
	[tilespmem:s25+$0x14170] =	vst v3;
	v3 =	vmul.f32 v48, v50  }
0xbe: {  	v55 =	vld [tilespmem:s25+$0x141F0];
	[tilespmem:s25+$0x14180] =	vst v2;
	v2 =	vmul.f32 v49, v50  }
0xbf: {  	v56 =	vld [tilespmem:s25+$0x14200];
	[tilespmem:s25+$0x14190] =	vst v3;
	v3 =	vmul.f32 v51, v50  }
0xc0: {  	v57 =	vld [tilespmem:s25+$0x14210];
	[tilespmem:s25+$0x141A0] =	vst v2;
	v2 =	vmul.f32 v52, v50  }
0xc1: {  	v58 =	vld [tilespmem:s25+$0x14220];
	[tilespmem:s25+$0x141B0] =	vst v3;
	v3 =	vmul.f32 v53, v50  }
0xc2: {  	v1 =	vbroadcast v1, $0xF;
	v59 =	vld [tilespmem:s25+$0x14230];
	[tilespmem:s25+$0x141C0] =	vst v2;
	v2 =	vmul.f32 v54, v50  }
0xc3: {  	v60 =	vld [tilespmem:s25+$0x14240];
	[tilespmem:s25+$0x141D0] =	vst v3;
	v3 =	vmul.f32 v55, v50  }
0xc4: {  	v61 =	vld [tilespmem:s25+$0x14250];
	[tilespmem:s25+$0x141E0] =	vst v2;
	v2 =	vmul.f32 v56, v1  }
0xc5: {  	v62 =	vld [tilespmem:s25+$0x14260];
	[tilespmem:s25+$0x141F0] =	vst v3;
	v3 =	vmul.f32 v57, v1  }
0xc6: {  	v63 =	vld [tilespmem:s25+$0x14270];
	[tilespmem:s25+$0x14200] =	vst v2;
	v2 =	vmul.f32 v58, v1  }
0xc7: {  	[tilespmem:s25+$0x14210] =	vst v3;
	v3 =	vmul.f32 v59, v1  }
0xc8: {  	p0 =	sne.s32 s24, $0x7;
	[tilespmem:s25+$0x14220] =	vst v2;
	v2 =	vmul.f32 v60, v1  }
.Ltmp1:
0xc9: {  	[tilespmem:s25+$0x14230] =	vst v3;
	v3 =	vmul.f32 v61, v1;
	(pc) =	sbr.rel @p0 .LBB2_5-.Ltmp1, $4  }
0xca: {  	[tilespmem:s25+$0x14240] =	vst v2;
	v2 =	vmul.f32 v62, v1  }
0xcb: {  	[tilespmem:s25+$0x14250] =	vst v3;
	v1 =	vmul.f32 v63, v1  }
0xcc: {  	[tilespmem:s25+$0x14260] =	vst v2  }
0xcd: {  	s24 =	sadd.s32 $0x1, s24;
	[tilespmem:s25+$0x14270] =	vst v1  }
0xce: {  	s23 =	sadd.s32 $0x1, s23  }
0xcf: {  	p0 =	sne.s32 s23, $0x4F  }
.Ltmp2:
0xd0: {  	_ = 	snop;
	(pc) =	sbr.rel @p0 .LBB2_4-.Ltmp2, $4  }
0xd1: {  	[spmem:s3] =	stream.indirect.scatter.add.f32 [tilespmem:s13], [sflag:$0x2], $0x80, s18, s16, $0xb8;
	[tilespmem:$0x17A80] =	vst v63  }
0xd2: {  	_ =	swait.ge [sflag:s14], $0x4000  }
0xd3: {  	[sflag:s14] =	ssyncset.done $0x0  }
0xd4: {  	[sflag:s14] =	ssyncadd.s32 $0xFFFFC000  }
0xd5: {  	s4 =	sadd.s32 $0x1, s4  }
0xd6: {  	p0 =	sne.s32 s4, s12  }
.Ltmp3:
0xd7: {  	[bflag:$0x0] =	sbarrier.arrive $0xFFFF;
	(pc) =	sbr.rel @p0 .LBB2_1-.Ltmp3, $4  }
0xd8: {  	[hbm:s19], [sflag:s20] =	dma.local [spmem:s21], $0x2780  }
0xd9: {  	_ =	swait.ge [sflag:s14], $0x2780  }
0xda: {  	[sflag:s14] =	ssyncset.done $0x0  }
0xdb: {  	[sflag:s14] =	ssyncadd.s32 $0xFFFFD880  }
0xdc: {  	_ =	sfence.sel $0x180000  }
0xdd: {  	[bflag:$0x0] =	sbarrier.arrive $0xFFFF  }
0xde: {  	p0 =	sne.s32 s2, $0x0;
	_ =	strace $0x90000047  }
0xdf: {  	s0 =	sadd.s32 @!p0 $0x100000, s0;
	[bflag:$0x2] =	sbarrier.arrive $0xFFFF  }
0xe0: {  	[sflag:s0] =	ssyncadd.tile.s32 @!p0 $0x1;
	_ =	shalt  }
.Lfunc_end2:
_tile_overlayer_lowered:
.L_overlay_start_2:
0xe1: {  	(tag) =	ssettag $0x2  }
0xe2: {  	s0 =	rddreg [dreg:$0x0];
	s2 =	stileid.u32  }
0xe3: {  	s1 =	rddreg [dreg:$0x1];
	p0 =	sne.s32 s2, $0x0  }
0xe4: {  	s3 =	rddreg [dreg:$0x2];
	[bflag:$0x3] =	sbarrier.arrive $0xFFFF;
	s2 =	simm.s32 @!p0 $0x1C02  }
0xe5: {  	[timem:s3], [sflag:s2] =	dma.local @!p0 [hbm:s0], s1  }
0xe6: {  	s0 =	simm.s32 @!p0 $0x2  }
0xe7: {  	_ =	swait.ge @!p0 [sflag:s0], s1  }
0xe8: {  	s1 =	ssub.s32 @!p0 $0x0, s1;
	[sflag:s0] =	ssyncset.done @!p0 $0x0  }
0xe9: {  	[sflag:s0] =	ssyncadd.s32 @!p0 s1  }
0xea: {  	[bflag:$0x3] =	sbarrier.arrive $0xFFFF  }
0xeb: {  	_ =	shalt  }

</sc_bundles>
